<compile_context>
chip_gen: v7x
topology: tpu7x:2x2x1
jax: 0.10.2.dev20260603
libtpu: 0.0.44.dev20260713+nightly
codegen_flags: <defaults>
</compile_context>

<pallas_src>
import functools

import jax
import jax.numpy as jnp
from jax import lax
from jax.experimental import pallas as pl
from jax.experimental.pallas import tpu as pltpu
from jax.experimental.pallas import tpu_sc as plsc

_SEQ_LEN = 200
_EMBED_DIM = 64
_TAGSET = 128
_LANES = 16
_PER_TILE = 8
_N_WORKERS = _SEQ_LEN // _PER_TILE
_NUM_CORES = 2
_NUM_SUBCORES = 16
_NW = _NUM_CORES * _NUM_SUBCORES


def _sc_body(sentence_hbm, embt_hbm, out_hbm, idx_v, cols_v, acc_v, sem):
    wid = lax.axis_index("s") * _NUM_CORES + lax.axis_index("c")
    zeros = jnp.zeros((_LANES,), jnp.float32)
    for j in range(_EMBED_DIM // _LANES):
        acc_v[pl.ds(j * _LANES, _LANES)] = zeros

    @pl.when(wid < _N_WORKERS)
    def _():
        base = wid * _PER_TILE
        pltpu.sync_copy(sentence_hbm.at[pl.ds(base, _PER_TILE)],
                        idx_v.at[pl.ds(0, _PER_TILE)])
        idx_vec = idx_v[...]
        copies = []
        for r in range(_PER_TILE):
            block = pl.multiple_of((idx_vec[r] // 128) * 128, 128)
            copies.append(pltpu.async_copy(
                embt_hbm.at[:, pl.ds(block, 128)],
                cols_v.at[r], sem))
        lane = lax.iota(jnp.int32, _LANES)
        acc = [zeros] * (_EMBED_DIM // _LANES)
        for r in range(_PER_TILE):
            copies[r].wait()
            slab_ids = jnp.full((_LANES,), r, jnp.int32)
            lane_ids = jnp.zeros((_LANES,), jnp.int32) + (idx_vec[r] % 128)
            for j in range(_EMBED_DIM // _LANES):
                row_ids = lane + (_LANES * j)
                acc[j] = acc[j] + plsc.load_gather(
                    cols_v, [slab_ids, row_ids, lane_ids])
        for j in range(_EMBED_DIM // _LANES):
            acc_v[pl.ds(j * _LANES, _LANES)] = acc[j]

    pltpu.sync_copy(acc_v, out_hbm.at[wid])


_sc_gather = functools.partial(
    pl.kernel,
    out_type=jax.ShapeDtypeStruct((_NW, _EMBED_DIM), jnp.float32),
    mesh=plsc.VectorSubcoreMesh(
        core_axis_name="c", subcore_axis_name="s",
        num_cores=_NUM_CORES, num_subcores=_NUM_SUBCORES),
    scratch_types=[
        pltpu.VMEM((_LANES,), jnp.int32),
        pltpu.VMEM((_PER_TILE, _EMBED_DIM, 128), jnp.float32),
        pltpu.VMEM((_EMBED_DIM,), jnp.float32),
        pltpu.SemaphoreType.DMA,
    ],
    compiler_params=pltpu.CompilerParams(use_tc_tiling_on_sc=True, needs_layout_passes=False),
)(_sc_body)


def _tc_head_body(partials_ref, wt_ref, b_ref, out_ref):
    sv = jnp.sum(partials_ref[...], axis=0, keepdims=True) * (1.0 / _SEQ_LEN)
    logits = lax.dot_general(
        sv, wt_ref[...],
        dimension_numbers=(((1,), (0,)), ((), ())),
        preferred_element_type=jnp.float32,
    ) + b_ref[...]
    m = jnp.max(logits, axis=1, keepdims=True)
    shifted = logits - m
    lse = jnp.log(jnp.sum(jnp.exp(shifted), axis=1, keepdims=True))
    out_ref[...] = shifted - lse


def kernel(sentence, emb, W, b):
    partials = _sc_gather(sentence, emb.T)
    return pl.pallas_call(
        _tc_head_body,
        out_shape=jax.ShapeDtypeStruct((1, _TAGSET), jnp.float32),
    )(partials, W.T, b.reshape(1, _TAGSET))

# --- scband reference (transcript-rebuilt; emitter-appended) ---
"""Pipeline reference for scband-bow-random-29076928594122 (READ-ONLY COPY).

The authoritative reference and input builder live on the scoring server;
editing this copy changes nothing except your own understanding.
"""

import jax, jax.numpy as jnp
import numpy as np

VOCAB = 1000000
EMBED_DIM = 64
TAGSET = 128
SEQ_LEN = 200

def setup_inputs(seed: int = 0) -> dict:
    key = jax.random.key(seed)
    k1, k2, k3, k4 = jax.random.split(key, 4)
    sentence = jax.random.randint(k1, (SEQ_LEN,), 0, VOCAB, dtype=jnp.int64 if jax.config.jax_enable_x64 else jnp.int32).astype(jnp.int32)
    emb = jax.random.normal(k2, (VOCAB, EMBED_DIM), dtype=jnp.float32)
    W = jax.random.normal(k3, (TAGSET, EMBED_DIM), dtype=jnp.float32) * 0.05
    b = jax.random.normal(k4, (TAGSET,), dtype=jnp.float32) * 0.05
    return {"sentence": sentence, "emb": emb, "W": W, "b": b}

def reference(sentence, emb, W, b):
    # embeds = self.word_embeddings(sentence)  -> gather rows from table
    embeds = jnp.take(emb, sentence, axis=0)  # [L, D]
    # sentence_vector = sum(embeds) / len(embeds)
    # Python sum over a [L, D] tensor iterates the leading dim -> sum of rows -> [D]
    sentence_vector = jnp.sum(embeds, axis=0) / embeds.shape[0]  # [D]
    # tag_space = self.hidden2tag(sentence_vector)
    tag_space = sentence_vector @ W.T + b  # [TAGSET]
    # tag_scores = F.log_softmax(tag_space.view(1, -1), dim=1)
    tag_scores = jax.nn.log_softmax(tag_space.reshape(1, -1), axis=1)
    return tag_scores

if __name__ == "__main__":
    import jax
    _d = setup_inputs()
    print(jax.jit(kernel)(*tuple(_d.values())))

</pallas_src>

<mosaic_0001>
#map = affine_map<(d0, d1) -> (0)>
#map1 = affine_map<(d0, d1) -> (0, 0)>
module attributes {stable_mosaic.version = 14 : i64} {
  func.func @_sc_body(%arg0: i32, %arg1: i32, %arg2: memref<200xi32, #tpu.memory_space<hbm>>, %arg3: memref<64x1000000xf32, #tpu.memory_space<hbm>>, %arg4: memref<32x64xf32, #tpu.memory_space<hbm>>, %arg5: memref<16xi32, #tpu.memory_space<vmem>>, %arg6: memref<8x64x128xf32, #tpu.memory_space<vmem>>, %arg7: memref<64xf32, #tpu.memory_space<vmem>>, %arg8: memref<!tpu.dma_semaphore, #tpu.memory_space<semaphore_mem>>) attributes {dimension_semantics = [#tpu.dimension_semantics<core_parallel>, #tpu.dimension_semantics<subcore_parallel>], iteration_bounds = array<i64: 2, 16>, scalar_prefetch = 0 : i64, scratch_operands = 4 : i64, tpu.core_type = #tpu.core_type<sc_vector_subcore>, window_params = [{transform_indices = #map}, {transform_indices = #map1}, {transform_indices = #map1}]} {
    %mul3A = arith.constant 2 : i32
    %mul3A_0 = arith.muli %arg1, %mul3A : i32
    %add3A = arith.addi %mul3A_0, %arg0 : i32
    %broadcast_in_dim3A = arith.constant 0.000000e+00 : f32
    %broadcast_in_dim3A_1 = vector.broadcast %broadcast_in_dim3A : f32 to vector<16xf32>
    %swap3A = arith.constant 0 : index
    %swap3A_2 = tpu.vector_load %arg7[%swap3A] {strides = array<i32>} : memref<64xf32, #tpu.memory_space<vmem>>, vector<16xf32>,
    tpu.vector_store %arg7[%swap3A], %broadcast_in_dim3A_1 {strides = array<i32>} : memref<64xf32, #tpu.memory_space<vmem>>, vector<16xf32>,
    %swap3A_3 = arith.constant 16 : index
    %swap3A_4 = tpu.vector_load %arg7[%swap3A_3] {strides = array<i32>} : memref<64xf32, #tpu.memory_space<vmem>>, vector<16xf32>,
    tpu.vector_store %arg7[%swap3A_3], %broadcast_in_dim3A_1 {strides = array<i32>} : memref<64xf32, #tpu.memory_space<vmem>>, vector<16xf32>,
    %swap3A_5 = arith.constant 32 : index
    %swap3A_6 = tpu.vector_load %arg7[%swap3A_5] {strides = array<i32>} : memref<64xf32, #tpu.memory_space<vmem>>, vector<16xf32>,
    tpu.vector_store %arg7[%swap3A_5], %broadcast_in_dim3A_1 {strides = array<i32>} : memref<64xf32, #tpu.memory_space<vmem>>, vector<16xf32>,
    %swap3A_7 = arith.constant 48 : index
    %swap3A_8 = tpu.vector_load %arg7[%swap3A_7] {strides = array<i32>} : memref<64xf32, #tpu.memory_space<vmem>>, vector<16xf32>,
    tpu.vector_store %arg7[%swap3A_7], %broadcast_in_dim3A_1 {strides = array<i32>} : memref<64xf32, #tpu.memory_space<vmem>>, vector<16xf32>,
    %lt3A = arith.constant 25 : i32
    %lt3A_9 = arith.cmpi slt, %add3A, %lt3A : i32
    %convert_element_type3A = arith.extui %lt3A_9 : i1 to i32
    %cond3A = arith.constant 0 : i32
    %cond3A_10 = arith.cmpi ne, %convert_element_type3A, %cond3A : i32
    scf.if %cond3A_10 {
      %mul3A_11 = arith.constant 8 : i32
      %mul3A_12 = arith.muli %add3A, %mul3A_11 : i32
      "tpu.region"() ({
        %run_scoped3A = tpu.sem_alloc : memref<!tpu.dma_semaphore, #tpu.memory_space<semaphore_mem>>
        %dma_start3A_799 = arith.constant 0 : i32
        %dma_start3A_800 = tpu.memref_slice %arg5[%dma_start3A_799] : memref<16xi32, #tpu.memory_space<vmem>> -> memref<8xi32, #tpu.memory_space<vmem>>
        %dma_start3A_801 = tpu.memref_slice %arg2[%mul3A_12] : memref<200xi32, #tpu.memory_space<hbm>> -> memref<8xi32, #tpu.memory_space<hbm>>
        %dma_start3A_802 = arith.constant 0 : i32
        %dma_start3A_803 = tpu.memref_slice %arg5[%dma_start3A_802] : memref<16xi32, #tpu.memory_space<vmem>> -> memref<8xi32, #tpu.memory_space<vmem>>
        %dma_start3A_804 = tpu.memref_slice %arg2[%mul3A_12] : memref<200xi32, #tpu.memory_space<hbm>> -> memref<8xi32, #tpu.memory_space<hbm>>
        tpu.enqueue_dma source(%dma_start3A_804 : memref<8xi32, #tpu.memory_space<hbm>>) target(%dma_start3A_803 : memref<8xi32, #tpu.memory_space<vmem>>) target_semaphore(%run_scoped3A : memref<!tpu.dma_semaphore, #tpu.memory_space<semaphore_mem>>)
        %dma_wait3A_805 = arith.constant 0 : i32
        %dma_wait3A_806 = tpu.memref_slice %arg5[%dma_wait3A_805] : memref<16xi32, #tpu.memory_space<vmem>> -> memref<8xi32, #tpu.memory_space<vmem>>
        %dma_wait3A_807 = tpu.memref_slice %arg2[%mul3A_12] : memref<200xi32, #tpu.memory_space<hbm>> -> memref<8xi32, #tpu.memory_space<hbm>>
        %dma_wait3A_808 = arith.constant 0 : i32
        %dma_wait3A_809 = tpu.memref_slice %arg5[%dma_wait3A_808] : memref<16xi32, #tpu.memory_space<vmem>> -> memref<8xi32, #tpu.memory_space<vmem>>
        %dma_wait3A_810 = tpu.memref_slice %arg2[%mul3A_12] : memref<200xi32, #tpu.memory_space<hbm>> -> memref<8xi32, #tpu.memory_space<hbm>>
        tpu.wait_dma2 semaphore(%run_scoped3A : memref<!tpu.dma_semaphore, #tpu.memory_space<semaphore_mem>>) src(%dma_wait3A_810 : memref<8xi32, #tpu.memory_space<hbm>>) dst(%dma_wait3A_809 : memref<8xi32, #tpu.memory_space<vmem>>)
        tpu.yield
      }) : () -> ()
      %get3A = arith.constant 0 : index
      %get3A_13 = tpu.vector_load %arg5[%get3A] {strides = array<i32>} : memref<16xi32, #tpu.memory_space<vmem>>, vector<16xi32>,
      %slice3A = vector.extract_strided_slice %get3A_13 {offsets = [0], sizes = [1], strides = [1]} : vector<16xi32> to vector<1xi32>
      %squeeze3A = vector.extract %slice3A[0] : i32 from vector<1xi32>
      %jit3A = arith.constant 128 : i32
      %div3A = arith.divsi %squeeze3A, %jit3A : i32
      %sign3A = arith.constant 0 : i32
      %sign3A_14 = arith.cmpi sgt, %squeeze3A, %sign3A : i32
      %sign3A_15 = arith.extui %sign3A_14 : i1 to i32
      %sign3A_16 = arith.constant 0 : i32
      %sign3A_17 = arith.cmpi slt, %squeeze3A, %sign3A_16 : i32
      %sign3A_18 = arith.extui %sign3A_17 : i1 to i32
      %sign3A_19 = arith.subi %sign3A_15, %sign3A_18 : i32
      %sign3A_20 = arith.constant 0 : i32
      %sign3A_21 = arith.cmpi sgt, %jit3A, %sign3A_20 : i32
      %sign3A_22 = arith.extui %sign3A_21 : i1 to i32
      %sign3A_23 = arith.constant 0 : i32
      %sign3A_24 = arith.cmpi slt, %jit3A, %sign3A_23 : i32
      %sign3A_25 = arith.extui %sign3A_24 : i1 to i32
      %sign3A_26 = arith.subi %sign3A_22, %sign3A_25 : i32
      %ne3A = arith.cmpi ne, %sign3A_19, %sign3A_26 : i32
      %rem3A = arith.remsi %squeeze3A, %jit3A : i32
      %ne3A_27 = arith.constant 0 : i32
      %ne3A_28 = arith.cmpi ne, %rem3A, %ne3A_27 : i32
      %and3A = arith.andi %ne3A, %ne3A_28 : i1
      %sub3A = arith.constant 1 : i32
      %sub3A_29 = arith.subi %div3A, %sub3A : i32
      %select_n3A = arith.select %and3A, %sub3A_29, %div3A : i32
      %mul3A_30 = arith.constant 128 : i32
      %mul3A_31 = arith.muli %select_n3A, %mul3A_30 : i32
      %multiple_of3A = tpu.assume_multiple %mul3A_31, 128 : i32
      %dma_start3A = arith.constant 0 : i32
      %dma_start3A_32 = arith.constant 0 : i32
      %dma_start3A_33 = arith.constant 0 : i32
      %dma_start3A_34 = tpu.memref_slice %arg6[%dma_start3A, %dma_start3A_32, %dma_start3A_33] : memref<8x64x128xf32, #tpu.memory_space<vmem>> -> memref<1x64x128xf32, #tpu.memory_space<vmem>>
      %dma_start3A_35 = tpu.memref_squeeze %dma_start3A_34 : memref<1x64x128xf32, #tpu.memory_space<vmem>> -> memref<64x128xf32, #tpu.memory_space<vmem>>
      %dma_start3A_36 = arith.constant 0 : i32
      %dma_start3A_37 = tpu.memref_slice %arg3[%dma_start3A_36, %multiple_of3A] : memref<64x1000000xf32, #tpu.memory_space<hbm>> -> memref<64x128xf32, #tpu.memory_space<hbm>>
      %dma_start3A_38 = arith.constant 0 : i32
      %dma_start3A_39 = arith.constant 0 : i32
      %dma_start3A_40 = tpu.memref_slice %arg6[%dma_start3A, %dma_start3A_38, %dma_start3A_39] : memref<8x64x128xf32, #tpu.memory_space<vmem>> -> memref<1x64x128xf32, #tpu.memory_space<vmem>>
      %dma_start3A_41 = tpu.memref_squeeze %dma_start3A_40 : memref<1x64x128xf32, #tpu.memory_space<vmem>> -> memref<64x128xf32, #tpu.memory_space<vmem>>
      %dma_start3A_42 = arith.constant 0 : i32
      %dma_start3A_43 = tpu.memref_slice %arg3[%dma_start3A_42, %multiple_of3A] : memref<64x1000000xf32, #tpu.memory_space<hbm>> -> memref<64x128xf32, #tpu.memory_space<hbm>>
      tpu.enqueue_dma source(%dma_start3A_43 : memref<64x128xf32, #tpu.memory_space<hbm>>) target(%dma_start3A_41 : memref<64x128xf32, #tpu.memory_space<vmem>>) target_semaphore(%arg8 : memref<!tpu.dma_semaphore, #tpu.memory_space<semaphore_mem>>)
      %slice3A_44 = vector.extract_strided_slice %get3A_13 {offsets = [1], sizes = [1], strides = [1]} : vector<16xi32> to vector<1xi32>
      %squeeze3A_45 = vector.extract %slice3A_44[0] : i32 from vector<1xi32>
      %jit3A_46 = arith.constant 128 : i32
      %div3A_47 = arith.divsi %squeeze3A_45, %jit3A_46 : i32
      %sign3A_48 = arith.constant 0 : i32
      %sign3A_49 = arith.cmpi sgt, %squeeze3A_45, %sign3A_48 : i32
      %sign3A_50 = arith.extui %sign3A_49 : i1 to i32
      %sign3A_51 = arith.constant 0 : i32
      %sign3A_52 = arith.cmpi slt, %squeeze3A_45, %sign3A_51 : i32
      %sign3A_53 = arith.extui %sign3A_52 : i1 to i32
      %sign3A_54 = arith.subi %sign3A_50, %sign3A_53 : i32
      %sign3A_55 = arith.constant 0 : i32
      %sign3A_56 = arith.cmpi sgt, %jit3A_46, %sign3A_55 : i32
      %sign3A_57 = arith.extui %sign3A_56 : i1 to i32
      %sign3A_58 = arith.constant 0 : i32
      %sign3A_59 = arith.cmpi slt, %jit3A_46, %sign3A_58 : i32
      %sign3A_60 = arith.extui %sign3A_59 : i1 to i32
      %sign3A_61 = arith.subi %sign3A_57, %sign3A_60 : i32
      %ne3A_62 = arith.cmpi ne, %sign3A_54, %sign3A_61 : i32
      %rem3A_63 = arith.remsi %squeeze3A_45, %jit3A_46 : i32
      %ne3A_64 = arith.constant 0 : i32
      %ne3A_65 = arith.cmpi ne, %rem3A_63, %ne3A_64 : i32
      %and3A_66 = arith.andi %ne3A_62, %ne3A_65 : i1
      %sub3A_67 = arith.constant 1 : i32
      %sub3A_68 = arith.subi %div3A_47, %sub3A_67 : i32
      %select_n3A_69 = arith.select %and3A_66, %sub3A_68, %div3A_47 : i32
      %mul3A_70 = arith.constant 128 : i32
      %mul3A_71 = arith.muli %select_n3A_69, %mul3A_70 : i32
      %multiple_of3A_72 = tpu.assume_multiple %mul3A_71, 128 : i32
      %dma_start3A_73 = arith.constant 1 : i32
      %dma_start3A_74 = arith.constant 0 : i32
      %dma_start3A_75 = arith.constant 0 : i32
      %dma_start3A_76 = tpu.memref_slice %arg6[%dma_start3A_73, %dma_start3A_74, %dma_start3A_75] : memref<8x64x128xf32, #tpu.memory_space<vmem>> -> memref<1x64x128xf32, #tpu.memory_space<vmem>>
      %dma_start3A_77 = tpu.memref_squeeze %dma_start3A_76 : memref<1x64x128xf32, #tpu.memory_space<vmem>> -> memref<64x128xf32, #tpu.memory_space<vmem>>
      %dma_start3A_78 = arith.constant 0 : i32
      %dma_start3A_79 = tpu.memref_slice %arg3[%dma_start3A_78, %multiple_of3A_72] : memref<64x1000000xf32, #tpu.memory_space<hbm>> -> memref<64x128xf32, #tpu.memory_space<hbm>>
      %dma_start3A_80 = arith.constant 0 : i32
      %dma_start3A_81 = arith.constant 0 : i32
      %dma_start3A_82 = tpu.memref_slice %arg6[%dma_start3A_73, %dma_start3A_80, %dma_start3A_81] : memref<8x64x128xf32, #tpu.memory_space<vmem>> -> memref<1x64x128xf32, #tpu.memory_space<vmem>>
      %dma_start3A_83 = tpu.memref_squeeze %dma_start3A_82 : memref<1x64x128xf32, #tpu.memory_space<vmem>> -> memref<64x128xf32, #tpu.memory_space<vmem>>
      %dma_start3A_84 = arith.constant 0 : i32
      %dma_start3A_85 = tpu.memref_slice %arg3[%dma_start3A_84, %multiple_of3A_72] : memref<64x1000000xf32, #tpu.memory_space<hbm>> -> memref<64x128xf32, #tpu.memory_space<hbm>>
      tpu.enqueue_dma source(%dma_start3A_85 : memref<64x128xf32, #tpu.memory_space<hbm>>) target(%dma_start3A_83 : memref<64x128xf32, #tpu.memory_space<vmem>>) target_semaphore(%arg8 : memref<!tpu.dma_semaphore, #tpu.memory_space<semaphore_mem>>)
      %slice3A_86 = vector.extract_strided_slice %get3A_13 {offsets = [2], sizes = [1], strides = [1]} : vector<16xi32> to vector<1xi32>
      %squeeze3A_87 = vector.extract %slice3A_86[0] : i32 from vector<1xi32>
      %jit3A_88 = arith.constant 128 : i32
      %div3A_89 = arith.divsi %squeeze3A_87, %jit3A_88 : i32
      %sign3A_90 = arith.constant 0 : i32
      %sign3A_91 = arith.cmpi sgt, %squeeze3A_87, %sign3A_90 : i32
      %sign3A_92 = arith.extui %sign3A_91 : i1 to i32
      %sign3A_93 = arith.constant 0 : i32
      %sign3A_94 = arith.cmpi slt, %squeeze3A_87, %sign3A_93 : i32
      %sign3A_95 = arith.extui %sign3A_94 : i1 to i32
      %sign3A_96 = arith.subi %sign3A_92, %sign3A_95 : i32
      %sign3A_97 = arith.constant 0 : i32
      %sign3A_98 = arith.cmpi sgt, %jit3A_88, %sign3A_97 : i32
      %sign3A_99 = arith.extui %sign3A_98 : i1 to i32
      %sign3A_100 = arith.constant 0 : i32
      %sign3A_101 = arith.cmpi slt, %jit3A_88, %sign3A_100 : i32
      %sign3A_102 = arith.extui %sign3A_101 : i1 to i32
      %sign3A_103 = arith.subi %sign3A_99, %sign3A_102 : i32
      %ne3A_104 = arith.cmpi ne, %sign3A_96, %sign3A_103 : i32
      %rem3A_105 = arith.remsi %squeeze3A_87, %jit3A_88 : i32
      %ne3A_106 = arith.constant 0 : i32
      %ne3A_107 = arith.cmpi ne, %rem3A_105, %ne3A_106 : i32
      %and3A_108 = arith.andi %ne3A_104, %ne3A_107 : i1
      %sub3A_109 = arith.constant 1 : i32
      %sub3A_110 = arith.subi %div3A_89, %sub3A_109 : i32
      %select_n3A_111 = arith.select %and3A_108, %sub3A_110, %div3A_89 : i32
      %mul3A_112 = arith.constant 128 : i32
      %mul3A_113 = arith.muli %select_n3A_111, %mul3A_112 : i32
      %multiple_of3A_114 = tpu.assume_multiple %mul3A_113, 128 : i32
      %dma_start3A_115 = arith.constant 2 : i32
      %dma_start3A_116 = arith.constant 0 : i32
      %dma_start3A_117 = arith.constant 0 : i32
      %dma_start3A_118 = tpu.memref_slice %arg6[%dma_start3A_115, %dma_start3A_116, %dma_start3A_117] : memref<8x64x128xf32, #tpu.memory_space<vmem>> -> memref<1x64x128xf32, #tpu.memory_space<vmem>>
      %dma_start3A_119 = tpu.memref_squeeze %dma_start3A_118 : memref<1x64x128xf32, #tpu.memory_space<vmem>> -> memref<64x128xf32, #tpu.memory_space<vmem>>
      %dma_start3A_120 = arith.constant 0 : i32
      %dma_start3A_121 = tpu.memref_slice %arg3[%dma_start3A_120, %multiple_of3A_114] : memref<64x1000000xf32, #tpu.memory_space<hbm>> -> memref<64x128xf32, #tpu.memory_space<hbm>>
      %dma_start3A_122 = arith.constant 0 : i32
      %dma_start3A_123 = arith.constant 0 : i32
      %dma_start3A_124 = tpu.memref_slice %arg6[%dma_start3A_115, %dma_start3A_122, %dma_start3A_123] : memref<8x64x128xf32, #tpu.memory_space<vmem>> -> memref<1x64x128xf32, #tpu.memory_space<vmem>>
      %dma_start3A_125 = tpu.memref_squeeze %dma_start3A_124 : memref<1x64x128xf32, #tpu.memory_space<vmem>> -> memref<64x128xf32, #tpu.memory_space<vmem>>
      %dma_start3A_126 = arith.constant 0 : i32
      %dma_start3A_127 = tpu.memref_slice %arg3[%dma_start3A_126, %multiple_of3A_114] : memref<64x1000000xf32, #tpu.memory_space<hbm>> -> memref<64x128xf32, #tpu.memory_space<hbm>>
      tpu.enqueue_dma source(%dma_start3A_127 : memref<64x128xf32, #tpu.memory_space<hbm>>) target(%dma_start3A_125 : memref<64x128xf32, #tpu.memory_space<vmem>>) target_semaphore(%arg8 : memref<!tpu.dma_semaphore, #tpu.memory_space<semaphore_mem>>)
      %slice3A_128 = vector.extract_strided_slice %get3A_13 {offsets = [3], sizes = [1], strides = [1]} : vector<16xi32> to vector<1xi32>
      %squeeze3A_129 = vector.extract %slice3A_128[0] : i32 from vector<1xi32>
      %jit3A_130 = arith.constant 128 : i32
      %div3A_131 = arith.divsi %squeeze3A_129, %jit3A_130 : i32
      %sign3A_132 = arith.constant 0 : i32
      %sign3A_133 = arith.cmpi sgt, %squeeze3A_129, %sign3A_132 : i32
      %sign3A_134 = arith.extui %sign3A_133 : i1 to i32
      %sign3A_135 = arith.constant 0 : i32
      %sign3A_136 = arith.cmpi slt, %squeeze3A_129, %sign3A_135 : i32
      %sign3A_137 = arith.extui %sign3A_136 : i1 to i32
      %sign3A_138 = arith.subi %sign3A_134, %sign3A_137 : i32
      %sign3A_139 = arith.constant 0 : i32
      %sign3A_140 = arith.cmpi sgt, %jit3A_130, %sign3A_139 : i32
      %sign3A_141 = arith.extui %sign3A_140 : i1 to i32
      %sign3A_142 = arith.constant 0 : i32
      %sign3A_143 = arith.cmpi slt, %jit3A_130, %sign3A_142 : i32
      %sign3A_144 = arith.extui %sign3A_143 : i1 to i32
      %sign3A_145 = arith.subi %sign3A_141, %sign3A_144 : i32
      %ne3A_146 = arith.cmpi ne, %sign3A_138, %sign3A_145 : i32
      %rem3A_147 = arith.remsi %squeeze3A_129, %jit3A_130 : i32
      %ne3A_148 = arith.constant 0 : i32
      %ne3A_149 = arith.cmpi ne, %rem3A_147, %ne3A_148 : i32
      %and3A_150 = arith.andi %ne3A_146, %ne3A_149 : i1
      %sub3A_151 = arith.constant 1 : i32
      %sub3A_152 = arith.subi %div3A_131, %sub3A_151 : i32
      %select_n3A_153 = arith.select %and3A_150, %sub3A_152, %div3A_131 : i32
      %mul3A_154 = arith.constant 128 : i32
      %mul3A_155 = arith.muli %select_n3A_153, %mul3A_154 : i32
      %multiple_of3A_156 = tpu.assume_multiple %mul3A_155, 128 : i32
      %dma_start3A_157 = arith.constant 3 : i32
      %dma_start3A_158 = arith.constant 0 : i32
      %dma_start3A_159 = arith.constant 0 : i32
      %dma_start3A_160 = tpu.memref_slice %arg6[%dma_start3A_157, %dma_start3A_158, %dma_start3A_159] : memref<8x64x128xf32, #tpu.memory_space<vmem>> -> memref<1x64x128xf32, #tpu.memory_space<vmem>>
      %dma_start3A_161 = tpu.memref_squeeze %dma_start3A_160 : memref<1x64x128xf32, #tpu.memory_space<vmem>> -> memref<64x128xf32, #tpu.memory_space<vmem>>
      %dma_start3A_162 = arith.constant 0 : i32
      %dma_start3A_163 = tpu.memref_slice %arg3[%dma_start3A_162, %multiple_of3A_156] : memref<64x1000000xf32, #tpu.memory_space<hbm>> -> memref<64x128xf32, #tpu.memory_space<hbm>>
      %dma_start3A_164 = arith.constant 0 : i32
      %dma_start3A_165 = arith.constant 0 : i32
      %dma_start3A_166 = tpu.memref_slice %arg6[%dma_start3A_157, %dma_start3A_164, %dma_start3A_165] : memref<8x64x128xf32, #tpu.memory_space<vmem>> -> memref<1x64x128xf32, #tpu.memory_space<vmem>>
      %dma_start3A_167 = tpu.memref_squeeze %dma_start3A_166 : memref<1x64x128xf32, #tpu.memory_space<vmem>> -> memref<64x128xf32, #tpu.memory_space<vmem>>
      %dma_start3A_168 = arith.constant 0 : i32
      %dma_start3A_169 = tpu.memref_slice %arg3[%dma_start3A_168, %multiple_of3A_156] : memref<64x1000000xf32, #tpu.memory_space<hbm>> -> memref<64x128xf32, #tpu.memory_space<hbm>>
      tpu.enqueue_dma source(%dma_start3A_169 : memref<64x128xf32, #tpu.memory_space<hbm>>) target(%dma_start3A_167 : memref<64x128xf32, #tpu.memory_space<vmem>>) target_semaphore(%arg8 : memref<!tpu.dma_semaphore, #tpu.memory_space<semaphore_mem>>)
      %slice3A_170 = vector.extract_strided_slice %get3A_13 {offsets = [4], sizes = [1], strides = [1]} : vector<16xi32> to vector<1xi32>
      %squeeze3A_171 = vector.extract %slice3A_170[0] : i32 from vector<1xi32>
      %jit3A_172 = arith.constant 128 : i32
      %div3A_173 = arith.divsi %squeeze3A_171, %jit3A_172 : i32
      %sign3A_174 = arith.constant 0 : i32
      %sign3A_175 = arith.cmpi sgt, %squeeze3A_171, %sign3A_174 : i32
      %sign3A_176 = arith.extui %sign3A_175 : i1 to i32
      %sign3A_177 = arith.constant 0 : i32
      %sign3A_178 = arith.cmpi slt, %squeeze3A_171, %sign3A_177 : i32
      %sign3A_179 = arith.extui %sign3A_178 : i1 to i32
      %sign3A_180 = arith.subi %sign3A_176, %sign3A_179 : i32
      %sign3A_181 = arith.constant 0 : i32
      %sign3A_182 = arith.cmpi sgt, %jit3A_172, %sign3A_181 : i32
      %sign3A_183 = arith.extui %sign3A_182 : i1 to i32
      %sign3A_184 = arith.constant 0 : i32
      %sign3A_185 = arith.cmpi slt, %jit3A_172, %sign3A_184 : i32
      %sign3A_186 = arith.extui %sign3A_185 : i1 to i32
      %sign3A_187 = arith.subi %sign3A_183, %sign3A_186 : i32
      %ne3A_188 = arith.cmpi ne, %sign3A_180, %sign3A_187 : i32
      %rem3A_189 = arith.remsi %squeeze3A_171, %jit3A_172 : i32
      %ne3A_190 = arith.constant 0 : i32
      %ne3A_191 = arith.cmpi ne, %rem3A_189, %ne3A_190 : i32
      %and3A_192 = arith.andi %ne3A_188, %ne3A_191 : i1
      %sub3A_193 = arith.constant 1 : i32
      %sub3A_194 = arith.subi %div3A_173, %sub3A_193 : i32
      %select_n3A_195 = arith.select %and3A_192, %sub3A_194, %div3A_173 : i32
      %mul3A_196 = arith.constant 128 : i32
      %mul3A_197 = arith.muli %select_n3A_195, %mul3A_196 : i32
      %multiple_of3A_198 = tpu.assume_multiple %mul3A_197, 128 : i32
      %dma_start3A_199 = arith.constant 4 : i32
      %dma_start3A_200 = arith.constant 0 : i32
      %dma_start3A_201 = arith.constant 0 : i32
      %dma_start3A_202 = tpu.memref_slice %arg6[%dma_start3A_199, %dma_start3A_200, %dma_start3A_201] : memref<8x64x128xf32, #tpu.memory_space<vmem>> -> memref<1x64x128xf32, #tpu.memory_space<vmem>>
      %dma_start3A_203 = tpu.memref_squeeze %dma_start3A_202 : memref<1x64x128xf32, #tpu.memory_space<vmem>> -> memref<64x128xf32, #tpu.memory_space<vmem>>
      %dma_start3A_204 = arith.constant 0 : i32
      %dma_start3A_205 = tpu.memref_slice %arg3[%dma_start3A_204, %multiple_of3A_198] : memref<64x1000000xf32, #tpu.memory_space<hbm>> -> memref<64x128xf32, #tpu.memory_space<hbm>>
      %dma_start3A_206 = arith.constant 0 : i32
      %dma_start3A_207 = arith.constant 0 : i32
      %dma_start3A_208 = tpu.memref_slice %arg6[%dma_start3A_199, %dma_start3A_206, %dma_start3A_207] : memref<8x64x128xf32, #tpu.memory_space<vmem>> -> memref<1x64x128xf32, #tpu.memory_space<vmem>>
      %dma_start3A_209 = tpu.memref_squeeze %dma_start3A_208 : memref<1x64x128xf32, #tpu.memory_space<vmem>> -> memref<64x128xf32, #tpu.memory_space<vmem>>
      %dma_start3A_210 = arith.constant 0 : i32
      %dma_start3A_211 = tpu.memref_slice %arg3[%dma_start3A_210, %multiple_of3A_198] : memref<64x1000000xf32, #tpu.memory_space<hbm>> -> memref<64x128xf32, #tpu.memory_space<hbm>>
      tpu.enqueue_dma source(%dma_start3A_211 : memref<64x128xf32, #tpu.memory_space<hbm>>) target(%dma_start3A_209 : memref<64x128xf32, #tpu.memory_space<vmem>>) target_semaphore(%arg8 : memref<!tpu.dma_semaphore, #tpu.memory_space<semaphore_mem>>)
      %slice3A_212 = vector.extract_strided_slice %get3A_13 {offsets = [5], sizes = [1], strides = [1]} : vector<16xi32> to vector<1xi32>
      %squeeze3A_213 = vector.extract %slice3A_212[0] : i32 from vector<1xi32>
      %jit3A_214 = arith.constant 128 : i32
      %div3A_215 = arith.divsi %squeeze3A_213, %jit3A_214 : i32
      %sign3A_216 = arith.constant 0 : i32
      %sign3A_217 = arith.cmpi sgt, %squeeze3A_213, %sign3A_216 : i32
      %sign3A_218 = arith.extui %sign3A_217 : i1 to i32
      %sign3A_219 = arith.constant 0 : i32
      %sign3A_220 = arith.cmpi slt, %squeeze3A_213, %sign3A_219 : i32
      %sign3A_221 = arith.extui %sign3A_220 : i1 to i32
      %sign3A_222 = arith.subi %sign3A_218, %sign3A_221 : i32
      %sign3A_223 = arith.constant 0 : i32
      %sign3A_224 = arith.cmpi sgt, %jit3A_214, %sign3A_223 : i32
      %sign3A_225 = arith.extui %sign3A_224 : i1 to i32
      %sign3A_226 = arith.constant 0 : i32
      %sign3A_227 = arith.cmpi slt, %jit3A_214, %sign3A_226 : i32
      %sign3A_228 = arith.extui %sign3A_227 : i1 to i32
      %sign3A_229 = arith.subi %sign3A_225, %sign3A_228 : i32
      %ne3A_230 = arith.cmpi ne, %sign3A_222, %sign3A_229 : i32
      %rem3A_231 = arith.remsi %squeeze3A_213, %jit3A_214 : i32
      %ne3A_232 = arith.constant 0 : i32
      %ne3A_233 = arith.cmpi ne, %rem3A_231, %ne3A_232 : i32
      %and3A_234 = arith.andi %ne3A_230, %ne3A_233 : i1
      %sub3A_235 = arith.constant 1 : i32
      %sub3A_236 = arith.subi %div3A_215, %sub3A_235 : i32
      %select_n3A_237 = arith.select %and3A_234, %sub3A_236, %div3A_215 : i32
      %mul3A_238 = arith.constant 128 : i32
      %mul3A_239 = arith.muli %select_n3A_237, %mul3A_238 : i32
      %multiple_of3A_240 = tpu.assume_multiple %mul3A_239, 128 : i32
      %dma_start3A_241 = arith.constant 5 : i32
      %dma_start3A_242 = arith.constant 0 : i32
      %dma_start3A_243 = arith.constant 0 : i32
      %dma_start3A_244 = tpu.memref_slice %arg6[%dma_start3A_241, %dma_start3A_242, %dma_start3A_243] : memref<8x64x128xf32, #tpu.memory_space<vmem>> -> memref<1x64x128xf32, #tpu.memory_space<vmem>>
      %dma_start3A_245 = tpu.memref_squeeze %dma_start3A_244 : memref<1x64x128xf32, #tpu.memory_space<vmem>> -> memref<64x128xf32, #tpu.memory_space<vmem>>
      %dma_start3A_246 = arith.constant 0 : i32
      %dma_start3A_247 = tpu.memref_slice %arg3[%dma_start3A_246, %multiple_of3A_240] : memref<64x1000000xf32, #tpu.memory_space<hbm>> -> memref<64x128xf32, #tpu.memory_space<hbm>>
      %dma_start3A_248 = arith.constant 0 : i32
      %dma_start3A_249 = arith.constant 0 : i32
      %dma_start3A_250 = tpu.memref_slice %arg6[%dma_start3A_241, %dma_start3A_248, %dma_start3A_249] : memref<8x64x128xf32, #tpu.memory_space<vmem>> -> memref<1x64x128xf32, #tpu.memory_space<vmem>>
      %dma_start3A_251 = tpu.memref_squeeze %dma_start3A_250 : memref<1x64x128xf32, #tpu.memory_space<vmem>> -> memref<64x128xf32, #tpu.memory_space<vmem>>
      %dma_start3A_252 = arith.constant 0 : i32
      %dma_start3A_253 = tpu.memref_slice %arg3[%dma_start3A_252, %multiple_of3A_240] : memref<64x1000000xf32, #tpu.memory_space<hbm>> -> memref<64x128xf32, #tpu.memory_space<hbm>>
      tpu.enqueue_dma source(%dma_start3A_253 : memref<64x128xf32, #tpu.memory_space<hbm>>) target(%dma_start3A_251 : memref<64x128xf32, #tpu.memory_space<vmem>>) target_semaphore(%arg8 : memref<!tpu.dma_semaphore, #tpu.memory_space<semaphore_mem>>)
      %slice3A_254 = vector.extract_strided_slice %get3A_13 {offsets = [6], sizes = [1], strides = [1]} : vector<16xi32> to vector<1xi32>
      %squeeze3A_255 = vector.extract %slice3A_254[0] : i32 from vector<1xi32>
      %jit3A_256 = arith.constant 128 : i32
      %div3A_257 = arith.divsi %squeeze3A_255, %jit3A_256 : i32
      %sign3A_258 = arith.constant 0 : i32
      %sign3A_259 = arith.cmpi sgt, %squeeze3A_255, %sign3A_258 : i32
      %sign3A_260 = arith.extui %sign3A_259 : i1 to i32
      %sign3A_261 = arith.constant 0 : i32
      %sign3A_262 = arith.cmpi slt, %squeeze3A_255, %sign3A_261 : i32
      %sign3A_263 = arith.extui %sign3A_262 : i1 to i32
      %sign3A_264 = arith.subi %sign3A_260, %sign3A_263 : i32
      %sign3A_265 = arith.constant 0 : i32
      %sign3A_266 = arith.cmpi sgt, %jit3A_256, %sign3A_265 : i32
      %sign3A_267 = arith.extui %sign3A_266 : i1 to i32
      %sign3A_268 = arith.constant 0 : i32
      %sign3A_269 = arith.cmpi slt, %jit3A_256, %sign3A_268 : i32
      %sign3A_270 = arith.extui %sign3A_269 : i1 to i32
      %sign3A_271 = arith.subi %sign3A_267, %sign3A_270 : i32
      %ne3A_272 = arith.cmpi ne, %sign3A_264, %sign3A_271 : i32
      %rem3A_273 = arith.remsi %squeeze3A_255, %jit3A_256 : i32
      %ne3A_274 = arith.constant 0 : i32
      %ne3A_275 = arith.cmpi ne, %rem3A_273, %ne3A_274 : i32
      %and3A_276 = arith.andi %ne3A_272, %ne3A_275 : i1
      %sub3A_277 = arith.constant 1 : i32
      %sub3A_278 = arith.subi %div3A_257, %sub3A_277 : i32
      %select_n3A_279 = arith.select %and3A_276, %sub3A_278, %div3A_257 : i32
      %mul3A_280 = arith.constant 128 : i32
      %mul3A_281 = arith.muli %select_n3A_279, %mul3A_280 : i32
      %multiple_of3A_282 = tpu.assume_multiple %mul3A_281, 128 : i32
      %dma_start3A_283 = arith.constant 6 : i32
      %dma_start3A_284 = arith.constant 0 : i32
      %dma_start3A_285 = arith.constant 0 : i32
      %dma_start3A_286 = tpu.memref_slice %arg6[%dma_start3A_283, %dma_start3A_284, %dma_start3A_285] : memref<8x64x128xf32, #tpu.memory_space<vmem>> -> memref<1x64x128xf32, #tpu.memory_space<vmem>>
      %dma_start3A_287 = tpu.memref_squeeze %dma_start3A_286 : memref<1x64x128xf32, #tpu.memory_space<vmem>> -> memref<64x128xf32, #tpu.memory_space<vmem>>
      %dma_start3A_288 = arith.constant 0 : i32
      %dma_start3A_289 = tpu.memref_slice %arg3[%dma_start3A_288, %multiple_of3A_282] : memref<64x1000000xf32, #tpu.memory_space<hbm>> -> memref<64x128xf32, #tpu.memory_space<hbm>>
      %dma_start3A_290 = arith.constant 0 : i32
      %dma_start3A_291 = arith.constant 0 : i32
      %dma_start3A_292 = tpu.memref_slice %arg6[%dma_start3A_283, %dma_start3A_290, %dma_start3A_291] : memref<8x64x128xf32, #tpu.memory_space<vmem>> -> memref<1x64x128xf32, #tpu.memory_space<vmem>>
      %dma_start3A_293 = tpu.memref_squeeze %dma_start3A_292 : memref<1x64x128xf32, #tpu.memory_space<vmem>> -> memref<64x128xf32, #tpu.memory_space<vmem>>
      %dma_start3A_294 = arith.constant 0 : i32
      %dma_start3A_295 = tpu.memref_slice %arg3[%dma_start3A_294, %multiple_of3A_282] : memref<64x1000000xf32, #tpu.memory_space<hbm>> -> memref<64x128xf32, #tpu.memory_space<hbm>>
      tpu.enqueue_dma source(%dma_start3A_295 : memref<64x128xf32, #tpu.memory_space<hbm>>) target(%dma_start3A_293 : memref<64x128xf32, #tpu.memory_space<vmem>>) target_semaphore(%arg8 : memref<!tpu.dma_semaphore, #tpu.memory_space<semaphore_mem>>)
      %slice3A_296 = vector.extract_strided_slice %get3A_13 {offsets = [7], sizes = [1], strides = [1]} : vector<16xi32> to vector<1xi32>
      %squeeze3A_297 = vector.extract %slice3A_296[0] : i32 from vector<1xi32>
      %jit3A_298 = arith.constant 128 : i32
      %div3A_299 = arith.divsi %squeeze3A_297, %jit3A_298 : i32
      %sign3A_300 = arith.constant 0 : i32
      %sign3A_301 = arith.cmpi sgt, %squeeze3A_297, %sign3A_300 : i32
      %sign3A_302 = arith.extui %sign3A_301 : i1 to i32
      %sign3A_303 = arith.constant 0 : i32
      %sign3A_304 = arith.cmpi slt, %squeeze3A_297, %sign3A_303 : i32
      %sign3A_305 = arith.extui %sign3A_304 : i1 to i32
      %sign3A_306 = arith.subi %sign3A_302, %sign3A_305 : i32
      %sign3A_307 = arith.constant 0 : i32
      %sign3A_308 = arith.cmpi sgt, %jit3A_298, %sign3A_307 : i32
      %sign3A_309 = arith.extui %sign3A_308 : i1 to i32
      %sign3A_310 = arith.constant 0 : i32
      %sign3A_311 = arith.cmpi slt, %jit3A_298, %sign3A_310 : i32
      %sign3A_312 = arith.extui %sign3A_311 : i1 to i32
      %sign3A_313 = arith.subi %sign3A_309, %sign3A_312 : i32
      %ne3A_314 = arith.cmpi ne, %sign3A_306, %sign3A_313 : i32
      %rem3A_315 = arith.remsi %squeeze3A_297, %jit3A_298 : i32
      %ne3A_316 = arith.constant 0 : i32
      %ne3A_317 = arith.cmpi ne, %rem3A_315, %ne3A_316 : i32
      %and3A_318 = arith.andi %ne3A_314, %ne3A_317 : i1
      %sub3A_319 = arith.constant 1 : i32
      %sub3A_320 = arith.subi %div3A_299, %sub3A_319 : i32
      %select_n3A_321 = arith.select %and3A_318, %sub3A_320, %div3A_299 : i32
      %mul3A_322 = arith.constant 128 : i32
      %mul3A_323 = arith.muli %select_n3A_321, %mul3A_322 : i32
      %multiple_of3A_324 = tpu.assume_multiple %mul3A_323, 128 : i32
      %dma_start3A_325 = arith.constant 7 : i32
      %dma_start3A_326 = arith.constant 0 : i32
      %dma_start3A_327 = arith.constant 0 : i32
      %dma_start3A_328 = tpu.memref_slice %arg6[%dma_start3A_325, %dma_start3A_326, %dma_start3A_327] : memref<8x64x128xf32, #tpu.memory_space<vmem>> -> memref<1x64x128xf32, #tpu.memory_space<vmem>>
      %dma_start3A_329 = tpu.memref_squeeze %dma_start3A_328 : memref<1x64x128xf32, #tpu.memory_space<vmem>> -> memref<64x128xf32, #tpu.memory_space<vmem>>
      %dma_start3A_330 = arith.constant 0 : i32
      %dma_start3A_331 = tpu.memref_slice %arg3[%dma_start3A_330, %multiple_of3A_324] : memref<64x1000000xf32, #tpu.memory_space<hbm>> -> memref<64x128xf32, #tpu.memory_space<hbm>>
      %dma_start3A_332 = arith.constant 0 : i32
      %dma_start3A_333 = arith.constant 0 : i32
      %dma_start3A_334 = tpu.memref_slice %arg6[%dma_start3A_325, %dma_start3A_332, %dma_start3A_333] : memref<8x64x128xf32, #tpu.memory_space<vmem>> -> memref<1x64x128xf32, #tpu.memory_space<vmem>>
      %dma_start3A_335 = tpu.memref_squeeze %dma_start3A_334 : memref<1x64x128xf32, #tpu.memory_space<vmem>> -> memref<64x128xf32, #tpu.memory_space<vmem>>
      %dma_start3A_336 = arith.constant 0 : i32
      %dma_start3A_337 = tpu.memref_slice %arg3[%dma_start3A_336, %multiple_of3A_324] : memref<64x1000000xf32, #tpu.memory_space<hbm>> -> memref<64x128xf32, #tpu.memory_space<hbm>>
      tpu.enqueue_dma source(%dma_start3A_337 : memref<64x128xf32, #tpu.memory_space<hbm>>) target(%dma_start3A_335 : memref<64x128xf32, #tpu.memory_space<vmem>>) target_semaphore(%arg8 : memref<!tpu.dma_semaphore, #tpu.memory_space<semaphore_mem>>)
      %iota3A = tpu.iota {dimensions = array<i32: 0>} : vector<16xi32>
      %dma_wait3A = arith.constant 0 : i32
      %dma_wait3A_338 = arith.constant 0 : i32
      %dma_wait3A_339 = arith.constant 0 : i32
      %dma_wait3A_340 = tpu.memref_slice %arg6[%dma_wait3A, %dma_wait3A_338, %dma_wait3A_339] : memref<8x64x128xf32, #tpu.memory_space<vmem>> -> memref<1x64x128xf32, #tpu.memory_space<vmem>>
      %dma_wait3A_341 = tpu.memref_squeeze %dma_wait3A_340 : memref<1x64x128xf32, #tpu.memory_space<vmem>> -> memref<64x128xf32, #tpu.memory_space<vmem>>
      %dma_wait3A_342 = arith.constant 0 : i32
      %dma_wait3A_343 = tpu.memref_slice %arg3[%dma_wait3A_342, %multiple_of3A] : memref<64x1000000xf32, #tpu.memory_space<hbm>> -> memref<64x128xf32, #tpu.memory_space<hbm>>
      %dma_wait3A_344 = arith.constant 0 : i32
      %dma_wait3A_345 = arith.constant 0 : i32
      %dma_wait3A_346 = tpu.memref_slice %arg6[%dma_wait3A, %dma_wait3A_344, %dma_wait3A_345] : memref<8x64x128xf32, #tpu.memory_space<vmem>> -> memref<1x64x128xf32, #tpu.memory_space<vmem>>
      %dma_wait3A_347 = tpu.memref_squeeze %dma_wait3A_346 : memref<1x64x128xf32, #tpu.memory_space<vmem>> -> memref<64x128xf32, #tpu.memory_space<vmem>>
      %dma_wait3A_348 = arith.constant 0 : i32
      %dma_wait3A_349 = tpu.memref_slice %arg3[%dma_wait3A_348, %multiple_of3A] : memref<64x1000000xf32, #tpu.memory_space<hbm>> -> memref<64x128xf32, #tpu.memory_space<hbm>>
      tpu.wait_dma2 semaphore(%arg8 : memref<!tpu.dma_semaphore, #tpu.memory_space<semaphore_mem>>) src(%dma_wait3A_349 : memref<64x128xf32, #tpu.memory_space<hbm>>) dst(%dma_wait3A_347 : memref<64x128xf32, #tpu.memory_space<vmem>>)
      %broadcast_in_dim3A_350 = arith.constant 0 : i32
      %broadcast_in_dim3A_351 = vector.broadcast %broadcast_in_dim3A_350 : i32 to vector<16xi32>
      %broadcast_in_dim3A_352 = arith.constant 0 : i32
      %broadcast_in_dim3A_353 = vector.broadcast %broadcast_in_dim3A_352 : i32 to vector<16xi32>
      %slice3A_354 = vector.extract_strided_slice %get3A_13 {offsets = [0], sizes = [1], strides = [1]} : vector<16xi32> to vector<1xi32>
      %squeeze3A_355 = vector.extract %slice3A_354[0] : i32 from vector<1xi32>
      %jit3A_356 = arith.constant 128 : i32
      %eq3A = arith.constant 0 : i32
      %eq3A_357 = arith.cmpi eq, %jit3A_356, %eq3A : i32
      %jit3A_358 = arith.constant 1 : i32
      %select_n3A_359 = arith.select %eq3A_357, %jit3A_358, %jit3A_356 : i32
      %rem3A_360 = arith.remsi %squeeze3A_355, %select_n3A_359 : i32
      %ne3A_361 = arith.constant 0 : i32
      %ne3A_362 = arith.cmpi ne, %rem3A_360, %ne3A_361 : i32
      %lt3A_363 = arith.constant 0 : i32
      %lt3A_364 = arith.cmpi slt, %rem3A_360, %lt3A_363 : i32
      %lt3A_365 = arith.constant 0 : i32
      %lt3A_366 = arith.cmpi slt, %select_n3A_359, %lt3A_365 : i32
      %ne3A_367 = arith.xori %lt3A_364, %lt3A_366 : i1
      %and3A_368 = arith.andi %ne3A_367, %ne3A_362 : i1
      %add3A_369 = arith.addi %rem3A_360, %select_n3A_359 : i32
      %select_n3A_370 = arith.select %and3A_368, %add3A_369, %rem3A_360 : i32
      %add3A_371 = vector.broadcast %select_n3A_370 : i32 to vector<16xi32>
      %add3A_372 = arith.addi %broadcast_in_dim3A_353, %add3A_371 : vector<16xi32>
      %add3A_373 = arith.constant 0 : i32
      %add3A_374 = vector.broadcast %add3A_373 : i32 to vector<16xi32>
      %add3A_375 = arith.addi %iota3A, %add3A_374 : vector<16xi32>
      %gather3A = tpu.vector_load_idx %arg6[%broadcast_in_dim3A_351, %add3A_375, %add3A_372] : memref<8x64x128xf32, #tpu.memory_space<vmem>>[vector<16xi32>, vector<16xi32>, vector<16xi32>], vector<16xf32>,
      %add3A_376 = arith.addf %broadcast_in_dim3A_1, %gather3A : vector<16xf32>
      %add3A_377 = arith.constant 16 : i32
      %add3A_378 = vector.broadcast %add3A_377 : i32 to vector<16xi32>
      %add3A_379 = arith.addi %iota3A, %add3A_378 : vector<16xi32>
      %gather3A_380 = tpu.vector_load_idx %arg6[%broadcast_in_dim3A_351, %add3A_379, %add3A_372] : memref<8x64x128xf32, #tpu.memory_space<vmem>>[vector<16xi32>, vector<16xi32>, vector<16xi32>], vector<16xf32>,
      %add3A_381 = arith.addf %broadcast_in_dim3A_1, %gather3A_380 : vector<16xf32>
      %add3A_382 = arith.constant 32 : i32
      %add3A_383 = vector.broadcast %add3A_382 : i32 to vector<16xi32>
      %add3A_384 = arith.addi %iota3A, %add3A_383 : vector<16xi32>
      %gather3A_385 = tpu.vector_load_idx %arg6[%broadcast_in_dim3A_351, %add3A_384, %add3A_372] : memref<8x64x128xf32, #tpu.memory_space<vmem>>[vector<16xi32>, vector<16xi32>, vector<16xi32>], vector<16xf32>,
      %add3A_386 = arith.addf %broadcast_in_dim3A_1, %gather3A_385 : vector<16xf32>
      %add3A_387 = arith.constant 48 : i32
      %add3A_388 = vector.broadcast %add3A_387 : i32 to vector<16xi32>
      %add3A_389 = arith.addi %iota3A, %add3A_388 : vector<16xi32>
      %gather3A_390 = tpu.vector_load_idx %arg6[%broadcast_in_dim3A_351, %add3A_389, %add3A_372] : memref<8x64x128xf32, #tpu.memory_space<vmem>>[vector<16xi32>, vector<16xi32>, vector<16xi32>], vector<16xf32>,
      %add3A_391 = arith.addf %broadcast_in_dim3A_1, %gather3A_390 : vector<16xf32>
      %dma_wait3A_392 = arith.constant 1 : i32
      %dma_wait3A_393 = arith.constant 0 : i32
      %dma_wait3A_394 = arith.constant 0 : i32
      %dma_wait3A_395 = tpu.memref_slice %arg6[%dma_wait3A_392, %dma_wait3A_393, %dma_wait3A_394] : memref<8x64x128xf32, #tpu.memory_space<vmem>> -> memref<1x64x128xf32, #tpu.memory_space<vmem>>
      %dma_wait3A_396 = tpu.memref_squeeze %dma_wait3A_395 : memref<1x64x128xf32, #tpu.memory_space<vmem>> -> memref<64x128xf32, #tpu.memory_space<vmem>>
      %dma_wait3A_397 = arith.constant 0 : i32
      %dma_wait3A_398 = tpu.memref_slice %arg3[%dma_wait3A_397, %multiple_of3A_72] : memref<64x1000000xf32, #tpu.memory_space<hbm>> -> memref<64x128xf32, #tpu.memory_space<hbm>>
      %dma_wait3A_399 = arith.constant 0 : i32
      %dma_wait3A_400 = arith.constant 0 : i32
      %dma_wait3A_401 = tpu.memref_slice %arg6[%dma_wait3A_392, %dma_wait3A_399, %dma_wait3A_400] : memref<8x64x128xf32, #tpu.memory_space<vmem>> -> memref<1x64x128xf32, #tpu.memory_space<vmem>>
      %dma_wait3A_402 = tpu.memref_squeeze %dma_wait3A_401 : memref<1x64x128xf32, #tpu.memory_space<vmem>> -> memref<64x128xf32, #tpu.memory_space<vmem>>
      %dma_wait3A_403 = arith.constant 0 : i32
      %dma_wait3A_404 = tpu.memref_slice %arg3[%dma_wait3A_403, %multiple_of3A_72] : memref<64x1000000xf32, #tpu.memory_space<hbm>> -> memref<64x128xf32, #tpu.memory_space<hbm>>
      tpu.wait_dma2 semaphore(%arg8 : memref<!tpu.dma_semaphore, #tpu.memory_space<semaphore_mem>>) src(%dma_wait3A_404 : memref<64x128xf32, #tpu.memory_space<hbm>>) dst(%dma_wait3A_402 : memref<64x128xf32, #tpu.memory_space<vmem>>)
      %broadcast_in_dim3A_405 = arith.constant 1 : i32
      %broadcast_in_dim3A_406 = vector.broadcast %broadcast_in_dim3A_405 : i32 to vector<16xi32>
      %broadcast_in_dim3A_407 = arith.constant 0 : i32
      %broadcast_in_dim3A_408 = vector.broadcast %broadcast_in_dim3A_407 : i32 to vector<16xi32>
      %slice3A_409 = vector.extract_strided_slice %get3A_13 {offsets = [1], sizes = [1], strides = [1]} : vector<16xi32> to vector<1xi32>
      %squeeze3A_410 = vector.extract %slice3A_409[0] : i32 from vector<1xi32>
      %jit3A_411 = arith.constant 128 : i32
      %eq3A_412 = arith.constant 0 : i32
      %eq3A_413 = arith.cmpi eq, %jit3A_411, %eq3A_412 : i32
      %jit3A_414 = arith.constant 1 : i32
      %select_n3A_415 = arith.select %eq3A_413, %jit3A_414, %jit3A_411 : i32
      %rem3A_416 = arith.remsi %squeeze3A_410, %select_n3A_415 : i32
      %ne3A_417 = arith.constant 0 : i32
      %ne3A_418 = arith.cmpi ne, %rem3A_416, %ne3A_417 : i32
      %lt3A_419 = arith.constant 0 : i32
      %lt3A_420 = arith.cmpi slt, %rem3A_416, %lt3A_419 : i32
      %lt3A_421 = arith.constant 0 : i32
      %lt3A_422 = arith.cmpi slt, %select_n3A_415, %lt3A_421 : i32
      %ne3A_423 = arith.xori %lt3A_420, %lt3A_422 : i1
      %and3A_424 = arith.andi %ne3A_423, %ne3A_418 : i1
      %add3A_425 = arith.addi %rem3A_416, %select_n3A_415 : i32
      %select_n3A_426 = arith.select %and3A_424, %add3A_425, %rem3A_416 : i32
      %add3A_427 = vector.broadcast %select_n3A_426 : i32 to vector<16xi32>
      %add3A_428 = arith.addi %broadcast_in_dim3A_408, %add3A_427 : vector<16xi32>
      %add3A_429 = arith.constant 0 : i32
      %add3A_430 = vector.broadcast %add3A_429 : i32 to vector<16xi32>
      %add3A_431 = arith.addi %iota3A, %add3A_430 : vector<16xi32>
      %gather3A_432 = tpu.vector_load_idx %arg6[%broadcast_in_dim3A_406, %add3A_431, %add3A_428] : memref<8x64x128xf32, #tpu.memory_space<vmem>>[vector<16xi32>, vector<16xi32>, vector<16xi32>], vector<16xf32>,
      %add3A_433 = arith.addf %add3A_376, %gather3A_432 : vector<16xf32>
      %add3A_434 = arith.constant 16 : i32
      %add3A_435 = vector.broadcast %add3A_434 : i32 to vector<16xi32>
      %add3A_436 = arith.addi %iota3A, %add3A_435 : vector<16xi32>
      %gather3A_437 = tpu.vector_load_idx %arg6[%broadcast_in_dim3A_406, %add3A_436, %add3A_428] : memref<8x64x128xf32, #tpu.memory_space<vmem>>[vector<16xi32>, vector<16xi32>, vector<16xi32>], vector<16xf32>,
      %add3A_438 = arith.addf %add3A_381, %gather3A_437 : vector<16xf32>
      %add3A_439 = arith.constant 32 : i32
      %add3A_440 = vector.broadcast %add3A_439 : i32 to vector<16xi32>
      %add3A_441 = arith.addi %iota3A, %add3A_440 : vector<16xi32>
      %gather3A_442 = tpu.vector_load_idx %arg6[%broadcast_in_dim3A_406, %add3A_441, %add3A_428] : memref<8x64x128xf32, #tpu.memory_space<vmem>>[vector<16xi32>, vector<16xi32>, vector<16xi32>], vector<16xf32>,
      %add3A_443 = arith.addf %add3A_386, %gather3A_442 : vector<16xf32>
      %add3A_444 = arith.constant 48 : i32
      %add3A_445 = vector.broadcast %add3A_444 : i32 to vector<16xi32>
      %add3A_446 = arith.addi %iota3A, %add3A_445 : vector<16xi32>
      %gather3A_447 = tpu.vector_load_idx %arg6[%broadcast_in_dim3A_406, %add3A_446, %add3A_428] : memref<8x64x128xf32, #tpu.memory_space<vmem>>[vector<16xi32>, vector<16xi32>, vector<16xi32>], vector<16xf32>,
      %add3A_448 = arith.addf %add3A_391, %gather3A_447 : vector<16xf32>
      %dma_wait3A_449 = arith.constant 2 : i32
      %dma_wait3A_450 = arith.constant 0 : i32
      %dma_wait3A_451 = arith.constant 0 : i32
      %dma_wait3A_452 = tpu.memref_slice %arg6[%dma_wait3A_449, %dma_wait3A_450, %dma_wait3A_451] : memref<8x64x128xf32, #tpu.memory_space<vmem>> -> memref<1x64x128xf32, #tpu.memory_space<vmem>>
      %dma_wait3A_453 = tpu.memref_squeeze %dma_wait3A_452 : memref<1x64x128xf32, #tpu.memory_space<vmem>> -> memref<64x128xf32, #tpu.memory_space<vmem>>
      %dma_wait3A_454 = arith.constant 0 : i32
      %dma_wait3A_455 = tpu.memref_slice %arg3[%dma_wait3A_454, %multiple_of3A_114] : memref<64x1000000xf32, #tpu.memory_space<hbm>> -> memref<64x128xf32, #tpu.memory_space<hbm>>
      %dma_wait3A_456 = arith.constant 0 : i32
      %dma_wait3A_457 = arith.constant 0 : i32
      %dma_wait3A_458 = tpu.memref_slice %arg6[%dma_wait3A_449, %dma_wait3A_456, %dma_wait3A_457] : memref<8x64x128xf32, #tpu.memory_space<vmem>> -> memref<1x64x128xf32, #tpu.memory_space<vmem>>
      %dma_wait3A_459 = tpu.memref_squeeze %dma_wait3A_458 : memref<1x64x128xf32, #tpu.memory_space<vmem>> -> memref<64x128xf32, #tpu.memory_space<vmem>>
      %dma_wait3A_460 = arith.constant 0 : i32
      %dma_wait3A_461 = tpu.memref_slice %arg3[%dma_wait3A_460, %multiple_of3A_114] : memref<64x1000000xf32, #tpu.memory_space<hbm>> -> memref<64x128xf32, #tpu.memory_space<hbm>>
      tpu.wait_dma2 semaphore(%arg8 : memref<!tpu.dma_semaphore, #tpu.memory_space<semaphore_mem>>) src(%dma_wait3A_461 : memref<64x128xf32, #tpu.memory_space<hbm>>) dst(%dma_wait3A_459 : memref<64x128xf32, #tpu.memory_space<vmem>>)
      %broadcast_in_dim3A_462 = arith.constant 2 : i32
      %broadcast_in_dim3A_463 = vector.broadcast %broadcast_in_dim3A_462 : i32 to vector<16xi32>
      %broadcast_in_dim3A_464 = arith.constant 0 : i32
      %broadcast_in_dim3A_465 = vector.broadcast %broadcast_in_dim3A_464 : i32 to vector<16xi32>
      %slice3A_466 = vector.extract_strided_slice %get3A_13 {offsets = [2], sizes = [1], strides = [1]} : vector<16xi32> to vector<1xi32>
      %squeeze3A_467 = vector.extract %slice3A_466[0] : i32 from vector<1xi32>
      %jit3A_468 = arith.constant 128 : i32
      %eq3A_469 = arith.constant 0 : i32
      %eq3A_470 = arith.cmpi eq, %jit3A_468, %eq3A_469 : i32
      %jit3A_471 = arith.constant 1 : i32
      %select_n3A_472 = arith.select %eq3A_470, %jit3A_471, %jit3A_468 : i32
      %rem3A_473 = arith.remsi %squeeze3A_467, %select_n3A_472 : i32
      %ne3A_474 = arith.constant 0 : i32
      %ne3A_475 = arith.cmpi ne, %rem3A_473, %ne3A_474 : i32
      %lt3A_476 = arith.constant 0 : i32
      %lt3A_477 = arith.cmpi slt, %rem3A_473, %lt3A_476 : i32
      %lt3A_478 = arith.constant 0 : i32
      %lt3A_479 = arith.cmpi slt, %select_n3A_472, %lt3A_478 : i32
      %ne3A_480 = arith.xori %lt3A_477, %lt3A_479 : i1
      %and3A_481 = arith.andi %ne3A_480, %ne3A_475 : i1
      %add3A_482 = arith.addi %rem3A_473, %select_n3A_472 : i32
      %select_n3A_483 = arith.select %and3A_481, %add3A_482, %rem3A_473 : i32
      %add3A_484 = vector.broadcast %select_n3A_483 : i32 to vector<16xi32>
      %add3A_485 = arith.addi %broadcast_in_dim3A_465, %add3A_484 : vector<16xi32>
      %add3A_486 = arith.constant 0 : i32
      %add3A_487 = vector.broadcast %add3A_486 : i32 to vector<16xi32>
      %add3A_488 = arith.addi %iota3A, %add3A_487 : vector<16xi32>
      %gather3A_489 = tpu.vector_load_idx %arg6[%broadcast_in_dim3A_463, %add3A_488, %add3A_485] : memref<8x64x128xf32, #tpu.memory_space<vmem>>[vector<16xi32>, vector<16xi32>, vector<16xi32>], vector<16xf32>,
      %add3A_490 = arith.addf %add3A_433, %gather3A_489 : vector<16xf32>
      %add3A_491 = arith.constant 16 : i32
      %add3A_492 = vector.broadcast %add3A_491 : i32 to vector<16xi32>
      %add3A_493 = arith.addi %iota3A, %add3A_492 : vector<16xi32>
      %gather3A_494 = tpu.vector_load_idx %arg6[%broadcast_in_dim3A_463, %add3A_493, %add3A_485] : memref<8x64x128xf32, #tpu.memory_space<vmem>>[vector<16xi32>, vector<16xi32>, vector<16xi32>], vector<16xf32>,
      %add3A_495 = arith.addf %add3A_438, %gather3A_494 : vector<16xf32>
      %add3A_496 = arith.constant 32 : i32
      %add3A_497 = vector.broadcast %add3A_496 : i32 to vector<16xi32>
      %add3A_498 = arith.addi %iota3A, %add3A_497 : vector<16xi32>
      %gather3A_499 = tpu.vector_load_idx %arg6[%broadcast_in_dim3A_463, %add3A_498, %add3A_485] : memref<8x64x128xf32, #tpu.memory_space<vmem>>[vector<16xi32>, vector<16xi32>, vector<16xi32>], vector<16xf32>,
      %add3A_500 = arith.addf %add3A_443, %gather3A_499 : vector<16xf32>
      %add3A_501 = arith.constant 48 : i32
      %add3A_502 = vector.broadcast %add3A_501 : i32 to vector<16xi32>
      %add3A_503 = arith.addi %iota3A, %add3A_502 : vector<16xi32>
      %gather3A_504 = tpu.vector_load_idx %arg6[%broadcast_in_dim3A_463, %add3A_503, %add3A_485] : memref<8x64x128xf32, #tpu.memory_space<vmem>>[vector<16xi32>, vector<16xi32>, vector<16xi32>], vector<16xf32>,
      %add3A_505 = arith.addf %add3A_448, %gather3A_504 : vector<16xf32>
      %dma_wait3A_506 = arith.constant 3 : i32
      %dma_wait3A_507 = arith.constant 0 : i32
      %dma_wait3A_508 = arith.constant 0 : i32
      %dma_wait3A_509 = tpu.memref_slice %arg6[%dma_wait3A_506, %dma_wait3A_507, %dma_wait3A_508] : memref<8x64x128xf32, #tpu.memory_space<vmem>> -> memref<1x64x128xf32, #tpu.memory_space<vmem>>
      %dma_wait3A_510 = tpu.memref_squeeze %dma_wait3A_509 : memref<1x64x128xf32, #tpu.memory_space<vmem>> -> memref<64x128xf32, #tpu.memory_space<vmem>>
      %dma_wait3A_511 = arith.constant 0 : i32
      %dma_wait3A_512 = tpu.memref_slice %arg3[%dma_wait3A_511, %multiple_of3A_156] : memref<64x1000000xf32, #tpu.memory_space<hbm>> -> memref<64x128xf32, #tpu.memory_space<hbm>>
      %dma_wait3A_513 = arith.constant 0 : i32
      %dma_wait3A_514 = arith.constant 0 : i32
      %dma_wait3A_515 = tpu.memref_slice %arg6[%dma_wait3A_506, %dma_wait3A_513, %dma_wait3A_514] : memref<8x64x128xf32, #tpu.memory_space<vmem>> -> memref<1x64x128xf32, #tpu.memory_space<vmem>>
      %dma_wait3A_516 = tpu.memref_squeeze %dma_wait3A_515 : memref<1x64x128xf32, #tpu.memory_space<vmem>> -> memref<64x128xf32, #tpu.memory_space<vmem>>
      %dma_wait3A_517 = arith.constant 0 : i32
      %dma_wait3A_518 = tpu.memref_slice %arg3[%dma_wait3A_517, %multiple_of3A_156] : memref<64x1000000xf32, #tpu.memory_space<hbm>> -> memref<64x128xf32, #tpu.memory_space<hbm>>
      tpu.wait_dma2 semaphore(%arg8 : memref<!tpu.dma_semaphore, #tpu.memory_space<semaphore_mem>>) src(%dma_wait3A_518 : memref<64x128xf32, #tpu.memory_space<hbm>>) dst(%dma_wait3A_516 : memref<64x128xf32, #tpu.memory_space<vmem>>)
      %broadcast_in_dim3A_519 = arith.constant 3 : i32
      %broadcast_in_dim3A_520 = vector.broadcast %broadcast_in_dim3A_519 : i32 to vector<16xi32>
      %broadcast_in_dim3A_521 = arith.constant 0 : i32
      %broadcast_in_dim3A_522 = vector.broadcast %broadcast_in_dim3A_521 : i32 to vector<16xi32>
      %slice3A_523 = vector.extract_strided_slice %get3A_13 {offsets = [3], sizes = [1], strides = [1]} : vector<16xi32> to vector<1xi32>
      %squeeze3A_524 = vector.extract %slice3A_523[0] : i32 from vector<1xi32>
      %jit3A_525 = arith.constant 128 : i32
      %eq3A_526 = arith.constant 0 : i32
      %eq3A_527 = arith.cmpi eq, %jit3A_525, %eq3A_526 : i32
      %jit3A_528 = arith.constant 1 : i32
      %select_n3A_529 = arith.select %eq3A_527, %jit3A_528, %jit3A_525 : i32
      %rem3A_530 = arith.remsi %squeeze3A_524, %select_n3A_529 : i32
      %ne3A_531 = arith.constant 0 : i32
      %ne3A_532 = arith.cmpi ne, %rem3A_530, %ne3A_531 : i32
      %lt3A_533 = arith.constant 0 : i32
      %lt3A_534 = arith.cmpi slt, %rem3A_530, %lt3A_533 : i32
      %lt3A_535 = arith.constant 0 : i32
      %lt3A_536 = arith.cmpi slt, %select_n3A_529, %lt3A_535 : i32
      %ne3A_537 = arith.xori %lt3A_534, %lt3A_536 : i1
      %and3A_538 = arith.andi %ne3A_537, %ne3A_532 : i1
      %add3A_539 = arith.addi %rem3A_530, %select_n3A_529 : i32
      %select_n3A_540 = arith.select %and3A_538, %add3A_539, %rem3A_530 : i32
      %add3A_541 = vector.broadcast %select_n3A_540 : i32 to vector<16xi32>
      %add3A_542 = arith.addi %broadcast_in_dim3A_522, %add3A_541 : vector<16xi32>
      %add3A_543 = arith.constant 0 : i32
      %add3A_544 = vector.broadcast %add3A_543 : i32 to vector<16xi32>
      %add3A_545 = arith.addi %iota3A, %add3A_544 : vector<16xi32>
      %gather3A_546 = tpu.vector_load_idx %arg6[%broadcast_in_dim3A_520, %add3A_545, %add3A_542] : memref<8x64x128xf32, #tpu.memory_space<vmem>>[vector<16xi32>, vector<16xi32>, vector<16xi32>], vector<16xf32>,
      %add3A_547 = arith.addf %add3A_490, %gather3A_546 : vector<16xf32>
      %add3A_548 = arith.constant 16 : i32
      %add3A_549 = vector.broadcast %add3A_548 : i32 to vector<16xi32>
      %add3A_550 = arith.addi %iota3A, %add3A_549 : vector<16xi32>
      %gather3A_551 = tpu.vector_load_idx %arg6[%broadcast_in_dim3A_520, %add3A_550, %add3A_542] : memref<8x64x128xf32, #tpu.memory_space<vmem>>[vector<16xi32>, vector<16xi32>, vector<16xi32>], vector<16xf32>,
      %add3A_552 = arith.addf %add3A_495, %gather3A_551 : vector<16xf32>
      %add3A_553 = arith.constant 32 : i32
      %add3A_554 = vector.broadcast %add3A_553 : i32 to vector<16xi32>
      %add3A_555 = arith.addi %iota3A, %add3A_554 : vector<16xi32>
      %gather3A_556 = tpu.vector_load_idx %arg6[%broadcast_in_dim3A_520, %add3A_555, %add3A_542] : memref<8x64x128xf32, #tpu.memory_space<vmem>>[vector<16xi32>, vector<16xi32>, vector<16xi32>], vector<16xf32>,
      %add3A_557 = arith.addf %add3A_500, %gather3A_556 : vector<16xf32>
      %add3A_558 = arith.constant 48 : i32
      %add3A_559 = vector.broadcast %add3A_558 : i32 to vector<16xi32>
      %add3A_560 = arith.addi %iota3A, %add3A_559 : vector<16xi32>
      %gather3A_561 = tpu.vector_load_idx %arg6[%broadcast_in_dim3A_520, %add3A_560, %add3A_542] : memref<8x64x128xf32, #tpu.memory_space<vmem>>[vector<16xi32>, vector<16xi32>, vector<16xi32>], vector<16xf32>,
      %add3A_562 = arith.addf %add3A_505, %gather3A_561 : vector<16xf32>
      %dma_wait3A_563 = arith.constant 4 : i32
      %dma_wait3A_564 = arith.constant 0 : i32
      %dma_wait3A_565 = arith.constant 0 : i32
      %dma_wait3A_566 = tpu.memref_slice %arg6[%dma_wait3A_563, %dma_wait3A_564, %dma_wait3A_565] : memref<8x64x128xf32, #tpu.memory_space<vmem>> -> memref<1x64x128xf32, #tpu.memory_space<vmem>>
      %dma_wait3A_567 = tpu.memref_squeeze %dma_wait3A_566 : memref<1x64x128xf32, #tpu.memory_space<vmem>> -> memref<64x128xf32, #tpu.memory_space<vmem>>
      %dma_wait3A_568 = arith.constant 0 : i32
      %dma_wait3A_569 = tpu.memref_slice %arg3[%dma_wait3A_568, %multiple_of3A_198] : memref<64x1000000xf32, #tpu.memory_space<hbm>> -> memref<64x128xf32, #tpu.memory_space<hbm>>
      %dma_wait3A_570 = arith.constant 0 : i32
      %dma_wait3A_571 = arith.constant 0 : i32
      %dma_wait3A_572 = tpu.memref_slice %arg6[%dma_wait3A_563, %dma_wait3A_570, %dma_wait3A_571] : memref<8x64x128xf32, #tpu.memory_space<vmem>> -> memref<1x64x128xf32, #tpu.memory_space<vmem>>
      %dma_wait3A_573 = tpu.memref_squeeze %dma_wait3A_572 : memref<1x64x128xf32, #tpu.memory_space<vmem>> -> memref<64x128xf32, #tpu.memory_space<vmem>>
      %dma_wait3A_574 = arith.constant 0 : i32
      %dma_wait3A_575 = tpu.memref_slice %arg3[%dma_wait3A_574, %multiple_of3A_198] : memref<64x1000000xf32, #tpu.memory_space<hbm>> -> memref<64x128xf32, #tpu.memory_space<hbm>>
      tpu.wait_dma2 semaphore(%arg8 : memref<!tpu.dma_semaphore, #tpu.memory_space<semaphore_mem>>) src(%dma_wait3A_575 : memref<64x128xf32, #tpu.memory_space<hbm>>) dst(%dma_wait3A_573 : memref<64x128xf32, #tpu.memory_space<vmem>>)
      %broadcast_in_dim3A_576 = arith.constant 4 : i32
      %broadcast_in_dim3A_577 = vector.broadcast %broadcast_in_dim3A_576 : i32 to vector<16xi32>
      %broadcast_in_dim3A_578 = arith.constant 0 : i32
      %broadcast_in_dim3A_579 = vector.broadcast %broadcast_in_dim3A_578 : i32 to vector<16xi32>
      %slice3A_580 = vector.extract_strided_slice %get3A_13 {offsets = [4], sizes = [1], strides = [1]} : vector<16xi32> to vector<1xi32>
      %squeeze3A_581 = vector.extract %slice3A_580[0] : i32 from vector<1xi32>
      %jit3A_582 = arith.constant 128 : i32
      %eq3A_583 = arith.constant 0 : i32
      %eq3A_584 = arith.cmpi eq, %jit3A_582, %eq3A_583 : i32
      %jit3A_585 = arith.constant 1 : i32
      %select_n3A_586 = arith.select %eq3A_584, %jit3A_585, %jit3A_582 : i32
      %rem3A_587 = arith.remsi %squeeze3A_581, %select_n3A_586 : i32
      %ne3A_588 = arith.constant 0 : i32
      %ne3A_589 = arith.cmpi ne, %rem3A_587, %ne3A_588 : i32
      %lt3A_590 = arith.constant 0 : i32
      %lt3A_591 = arith.cmpi slt, %rem3A_587, %lt3A_590 : i32
      %lt3A_592 = arith.constant 0 : i32
      %lt3A_593 = arith.cmpi slt, %select_n3A_586, %lt3A_592 : i32
      %ne3A_594 = arith.xori %lt3A_591, %lt3A_593 : i1
      %and3A_595 = arith.andi %ne3A_594, %ne3A_589 : i1
      %add3A_596 = arith.addi %rem3A_587, %select_n3A_586 : i32
      %select_n3A_597 = arith.select %and3A_595, %add3A_596, %rem3A_587 : i32
      %add3A_598 = vector.broadcast %select_n3A_597 : i32 to vector<16xi32>
      %add3A_599 = arith.addi %broadcast_in_dim3A_579, %add3A_598 : vector<16xi32>
      %add3A_600 = arith.constant 0 : i32
      %add3A_601 = vector.broadcast %add3A_600 : i32 to vector<16xi32>
      %add3A_602 = arith.addi %iota3A, %add3A_601 : vector<16xi32>
      %gather3A_603 = tpu.vector_load_idx %arg6[%broadcast_in_dim3A_577, %add3A_602, %add3A_599] : memref<8x64x128xf32, #tpu.memory_space<vmem>>[vector<16xi32>, vector<16xi32>, vector<16xi32>], vector<16xf32>,
      %add3A_604 = arith.addf %add3A_547, %gather3A_603 : vector<16xf32>
      %add3A_605 = arith.constant 16 : i32
      %add3A_606 = vector.broadcast %add3A_605 : i32 to vector<16xi32>
      %add3A_607 = arith.addi %iota3A, %add3A_606 : vector<16xi32>
      %gather3A_608 = tpu.vector_load_idx %arg6[%broadcast_in_dim3A_577, %add3A_607, %add3A_599] : memref<8x64x128xf32, #tpu.memory_space<vmem>>[vector<16xi32>, vector<16xi32>, vector<16xi32>], vector<16xf32>,
      %add3A_609 = arith.addf %add3A_552, %gather3A_608 : vector<16xf32>
      %add3A_610 = arith.constant 32 : i32
      %add3A_611 = vector.broadcast %add3A_610 : i32 to vector<16xi32>
      %add3A_612 = arith.addi %iota3A, %add3A_611 : vector<16xi32>
      %gather3A_613 = tpu.vector_load_idx %arg6[%broadcast_in_dim3A_577, %add3A_612, %add3A_599] : memref<8x64x128xf32, #tpu.memory_space<vmem>>[vector<16xi32>, vector<16xi32>, vector<16xi32>], vector<16xf32>,
      %add3A_614 = arith.addf %add3A_557, %gather3A_613 : vector<16xf32>
      %add3A_615 = arith.constant 48 : i32
      %add3A_616 = vector.broadcast %add3A_615 : i32 to vector<16xi32>
      %add3A_617 = arith.addi %iota3A, %add3A_616 : vector<16xi32>
      %gather3A_618 = tpu.vector_load_idx %arg6[%broadcast_in_dim3A_577, %add3A_617, %add3A_599] : memref<8x64x128xf32, #tpu.memory_space<vmem>>[vector<16xi32>, vector<16xi32>, vector<16xi32>], vector<16xf32>,
      %add3A_619 = arith.addf %add3A_562, %gather3A_618 : vector<16xf32>
      %dma_wait3A_620 = arith.constant 5 : i32
      %dma_wait3A_621 = arith.constant 0 : i32
      %dma_wait3A_622 = arith.constant 0 : i32
      %dma_wait3A_623 = tpu.memref_slice %arg6[%dma_wait3A_620, %dma_wait3A_621, %dma_wait3A_622] : memref<8x64x128xf32, #tpu.memory_space<vmem>> -> memref<1x64x128xf32, #tpu.memory_space<vmem>>
      %dma_wait3A_624 = tpu.memref_squeeze %dma_wait3A_623 : memref<1x64x128xf32, #tpu.memory_space<vmem>> -> memref<64x128xf32, #tpu.memory_space<vmem>>
      %dma_wait3A_625 = arith.constant 0 : i32
      %dma_wait3A_626 = tpu.memref_slice %arg3[%dma_wait3A_625, %multiple_of3A_240] : memref<64x1000000xf32, #tpu.memory_space<hbm>> -> memref<64x128xf32, #tpu.memory_space<hbm>>
      %dma_wait3A_627 = arith.constant 0 : i32
      %dma_wait3A_628 = arith.constant 0 : i32
      %dma_wait3A_629 = tpu.memref_slice %arg6[%dma_wait3A_620, %dma_wait3A_627, %dma_wait3A_628] : memref<8x64x128xf32, #tpu.memory_space<vmem>> -> memref<1x64x128xf32, #tpu.memory_space<vmem>>
      %dma_wait3A_630 = tpu.memref_squeeze %dma_wait3A_629 : memref<1x64x128xf32, #tpu.memory_space<vmem>> -> memref<64x128xf32, #tpu.memory_space<vmem>>
      %dma_wait3A_631 = arith.constant 0 : i32
      %dma_wait3A_632 = tpu.memref_slice %arg3[%dma_wait3A_631, %multiple_of3A_240] : memref<64x1000000xf32, #tpu.memory_space<hbm>> -> memref<64x128xf32, #tpu.memory_space<hbm>>
      tpu.wait_dma2 semaphore(%arg8 : memref<!tpu.dma_semaphore, #tpu.memory_space<semaphore_mem>>) src(%dma_wait3A_632 : memref<64x128xf32, #tpu.memory_space<hbm>>) dst(%dma_wait3A_630 : memref<64x128xf32, #tpu.memory_space<vmem>>)
      %broadcast_in_dim3A_633 = arith.constant 5 : i32
      %broadcast_in_dim3A_634 = vector.broadcast %broadcast_in_dim3A_633 : i32 to vector<16xi32>
      %broadcast_in_dim3A_635 = arith.constant 0 : i32
      %broadcast_in_dim3A_636 = vector.broadcast %broadcast_in_dim3A_635 : i32 to vector<16xi32>
      %slice3A_637 = vector.extract_strided_slice %get3A_13 {offsets = [5], sizes = [1], strides = [1]} : vector<16xi32> to vector<1xi32>
      %squeeze3A_638 = vector.extract %slice3A_637[0] : i32 from vector<1xi32>
      %jit3A_639 = arith.constant 128 : i32
      %eq3A_640 = arith.constant 0 : i32
      %eq3A_641 = arith.cmpi eq, %jit3A_639, %eq3A_640 : i32
      %jit3A_642 = arith.constant 1 : i32
      %select_n3A_643 = arith.select %eq3A_641, %jit3A_642, %jit3A_639 : i32
      %rem3A_644 = arith.remsi %squeeze3A_638, %select_n3A_643 : i32
      %ne3A_645 = arith.constant 0 : i32
      %ne3A_646 = arith.cmpi ne, %rem3A_644, %ne3A_645 : i32
      %lt3A_647 = arith.constant 0 : i32
      %lt3A_648 = arith.cmpi slt, %rem3A_644, %lt3A_647 : i32
      %lt3A_649 = arith.constant 0 : i32
      %lt3A_650 = arith.cmpi slt, %select_n3A_643, %lt3A_649 : i32
      %ne3A_651 = arith.xori %lt3A_648, %lt3A_650 : i1
      %and3A_652 = arith.andi %ne3A_651, %ne3A_646 : i1
      %add3A_653 = arith.addi %rem3A_644, %select_n3A_643 : i32
      %select_n3A_654 = arith.select %and3A_652, %add3A_653, %rem3A_644 : i32
      %add3A_655 = vector.broadcast %select_n3A_654 : i32 to vector<16xi32>
      %add3A_656 = arith.addi %broadcast_in_dim3A_636, %add3A_655 : vector<16xi32>
      %add3A_657 = arith.constant 0 : i32
      %add3A_658 = vector.broadcast %add3A_657 : i32 to vector<16xi32>
      %add3A_659 = arith.addi %iota3A, %add3A_658 : vector<16xi32>
      %gather3A_660 = tpu.vector_load_idx %arg6[%broadcast_in_dim3A_634, %add3A_659, %add3A_656] : memref<8x64x128xf32, #tpu.memory_space<vmem>>[vector<16xi32>, vector<16xi32>, vector<16xi32>], vector<16xf32>,
      %add3A_661 = arith.addf %add3A_604, %gather3A_660 : vector<16xf32>
      %add3A_662 = arith.constant 16 : i32
      %add3A_663 = vector.broadcast %add3A_662 : i32 to vector<16xi32>
      %add3A_664 = arith.addi %iota3A, %add3A_663 : vector<16xi32>
      %gather3A_665 = tpu.vector_load_idx %arg6[%broadcast_in_dim3A_634, %add3A_664, %add3A_656] : memref<8x64x128xf32, #tpu.memory_space<vmem>>[vector<16xi32>, vector<16xi32>, vector<16xi32>], vector<16xf32>,
      %add3A_666 = arith.addf %add3A_609, %gather3A_665 : vector<16xf32>
      %add3A_667 = arith.constant 32 : i32
      %add3A_668 = vector.broadcast %add3A_667 : i32 to vector<16xi32>
      %add3A_669 = arith.addi %iota3A, %add3A_668 : vector<16xi32>
      %gather3A_670 = tpu.vector_load_idx %arg6[%broadcast_in_dim3A_634, %add3A_669, %add3A_656] : memref<8x64x128xf32, #tpu.memory_space<vmem>>[vector<16xi32>, vector<16xi32>, vector<16xi32>], vector<16xf32>,
      %add3A_671 = arith.addf %add3A_614, %gather3A_670 : vector<16xf32>
      %add3A_672 = arith.constant 48 : i32
      %add3A_673 = vector.broadcast %add3A_672 : i32 to vector<16xi32>
      %add3A_674 = arith.addi %iota3A, %add3A_673 : vector<16xi32>
      %gather3A_675 = tpu.vector_load_idx %arg6[%broadcast_in_dim3A_634, %add3A_674, %add3A_656] : memref<8x64x128xf32, #tpu.memory_space<vmem>>[vector<16xi32>, vector<16xi32>, vector<16xi32>], vector<16xf32>,
      %add3A_676 = arith.addf %add3A_619, %gather3A_675 : vector<16xf32>
      %dma_wait3A_677 = arith.constant 6 : i32
      %dma_wait3A_678 = arith.constant 0 : i32
      %dma_wait3A_679 = arith.constant 0 : i32
      %dma_wait3A_680 = tpu.memref_slice %arg6[%dma_wait3A_677, %dma_wait3A_678, %dma_wait3A_679] : memref<8x64x128xf32, #tpu.memory_space<vmem>> -> memref<1x64x128xf32, #tpu.memory_space<vmem>>
      %dma_wait3A_681 = tpu.memref_squeeze %dma_wait3A_680 : memref<1x64x128xf32, #tpu.memory_space<vmem>> -> memref<64x128xf32, #tpu.memory_space<vmem>>
      %dma_wait3A_682 = arith.constant 0 : i32
      %dma_wait3A_683 = tpu.memref_slice %arg3[%dma_wait3A_682, %multiple_of3A_282] : memref<64x1000000xf32, #tpu.memory_space<hbm>> -> memref<64x128xf32, #tpu.memory_space<hbm>>
      %dma_wait3A_684 = arith.constant 0 : i32
      %dma_wait3A_685 = arith.constant 0 : i32
      %dma_wait3A_686 = tpu.memref_slice %arg6[%dma_wait3A_677, %dma_wait3A_684, %dma_wait3A_685] : memref<8x64x128xf32, #tpu.memory_space<vmem>> -> memref<1x64x128xf32, #tpu.memory_space<vmem>>
      %dma_wait3A_687 = tpu.memref_squeeze %dma_wait3A_686 : memref<1x64x128xf32, #tpu.memory_space<vmem>> -> memref<64x128xf32, #tpu.memory_space<vmem>>
      %dma_wait3A_688 = arith.constant 0 : i32
      %dma_wait3A_689 = tpu.memref_slice %arg3[%dma_wait3A_688, %multiple_of3A_282] : memref<64x1000000xf32, #tpu.memory_space<hbm>> -> memref<64x128xf32, #tpu.memory_space<hbm>>
      tpu.wait_dma2 semaphore(%arg8 : memref<!tpu.dma_semaphore, #tpu.memory_space<semaphore_mem>>) src(%dma_wait3A_689 : memref<64x128xf32, #tpu.memory_space<hbm>>) dst(%dma_wait3A_687 : memref<64x128xf32, #tpu.memory_space<vmem>>)
      %broadcast_in_dim3A_690 = arith.constant 6 : i32
      %broadcast_in_dim3A_691 = vector.broadcast %broadcast_in_dim3A_690 : i32 to vector<16xi32>
      %broadcast_in_dim3A_692 = arith.constant 0 : i32
      %broadcast_in_dim3A_693 = vector.broadcast %broadcast_in_dim3A_692 : i32 to vector<16xi32>
      %slice3A_694 = vector.extract_strided_slice %get3A_13 {offsets = [6], sizes = [1], strides = [1]} : vector<16xi32> to vector<1xi32>
      %squeeze3A_695 = vector.extract %slice3A_694[0] : i32 from vector<1xi32>
      %jit3A_696 = arith.constant 128 : i32
      %eq3A_697 = arith.constant 0 : i32
      %eq3A_698 = arith.cmpi eq, %jit3A_696, %eq3A_697 : i32
      %jit3A_699 = arith.constant 1 : i32
      %select_n3A_700 = arith.select %eq3A_698, %jit3A_699, %jit3A_696 : i32
      %rem3A_701 = arith.remsi %squeeze3A_695, %select_n3A_700 : i32
      %ne3A_702 = arith.constant 0 : i32
      %ne3A_703 = arith.cmpi ne, %rem3A_701, %ne3A_702 : i32
      %lt3A_704 = arith.constant 0 : i32
      %lt3A_705 = arith.cmpi slt, %rem3A_701, %lt3A_704 : i32
      %lt3A_706 = arith.constant 0 : i32
      %lt3A_707 = arith.cmpi slt, %select_n3A_700, %lt3A_706 : i32
      %ne3A_708 = arith.xori %lt3A_705, %lt3A_707 : i1
      %and3A_709 = arith.andi %ne3A_708, %ne3A_703 : i1
      %add3A_710 = arith.addi %rem3A_701, %select_n3A_700 : i32
      %select_n3A_711 = arith.select %and3A_709, %add3A_710, %rem3A_701 : i32
      %add3A_712 = vector.broadcast %select_n3A_711 : i32 to vector<16xi32>
      %add3A_713 = arith.addi %broadcast_in_dim3A_693, %add3A_712 : vector<16xi32>
      %add3A_714 = arith.constant 0 : i32
      %add3A_715 = vector.broadcast %add3A_714 : i32 to vector<16xi32>
      %add3A_716 = arith.addi %iota3A, %add3A_715 : vector<16xi32>
      %gather3A_717 = tpu.vector_load_idx %arg6[%broadcast_in_dim3A_691, %add3A_716, %add3A_713] : memref<8x64x128xf32, #tpu.memory_space<vmem>>[vector<16xi32>, vector<16xi32>, vector<16xi32>], vector<16xf32>,
      %add3A_718 = arith.addf %add3A_661, %gather3A_717 : vector<16xf32>
      %add3A_719 = arith.constant 16 : i32
      %add3A_720 = vector.broadcast %add3A_719 : i32 to vector<16xi32>
      %add3A_721 = arith.addi %iota3A, %add3A_720 : vector<16xi32>
      %gather3A_722 = tpu.vector_load_idx %arg6[%broadcast_in_dim3A_691, %add3A_721, %add3A_713] : memref<8x64x128xf32, #tpu.memory_space<vmem>>[vector<16xi32>, vector<16xi32>, vector<16xi32>], vector<16xf32>,
      %add3A_723 = arith.addf %add3A_666, %gather3A_722 : vector<16xf32>
      %add3A_724 = arith.constant 32 : i32
      %add3A_725 = vector.broadcast %add3A_724 : i32 to vector<16xi32>
      %add3A_726 = arith.addi %iota3A, %add3A_725 : vector<16xi32>
      %gather3A_727 = tpu.vector_load_idx %arg6[%broadcast_in_dim3A_691, %add3A_726, %add3A_713] : memref<8x64x128xf32, #tpu.memory_space<vmem>>[vector<16xi32>, vector<16xi32>, vector<16xi32>], vector<16xf32>,
      %add3A_728 = arith.addf %add3A_671, %gather3A_727 : vector<16xf32>
      %add3A_729 = arith.constant 48 : i32
      %add3A_730 = vector.broadcast %add3A_729 : i32 to vector<16xi32>
      %add3A_731 = arith.addi %iota3A, %add3A_730 : vector<16xi32>
      %gather3A_732 = tpu.vector_load_idx %arg6[%broadcast_in_dim3A_691, %add3A_731, %add3A_713] : memref<8x64x128xf32, #tpu.memory_space<vmem>>[vector<16xi32>, vector<16xi32>, vector<16xi32>], vector<16xf32>,
      %add3A_733 = arith.addf %add3A_676, %gather3A_732 : vector<16xf32>
      %dma_wait3A_734 = arith.constant 7 : i32
      %dma_wait3A_735 = arith.constant 0 : i32
      %dma_wait3A_736 = arith.constant 0 : i32
      %dma_wait3A_737 = tpu.memref_slice %arg6[%dma_wait3A_734, %dma_wait3A_735, %dma_wait3A_736] : memref<8x64x128xf32, #tpu.memory_space<vmem>> -> memref<1x64x128xf32, #tpu.memory_space<vmem>>
      %dma_wait3A_738 = tpu.memref_squeeze %dma_wait3A_737 : memref<1x64x128xf32, #tpu.memory_space<vmem>> -> memref<64x128xf32, #tpu.memory_space<vmem>>
      %dma_wait3A_739 = arith.constant 0 : i32
      %dma_wait3A_740 = tpu.memref_slice %arg3[%dma_wait3A_739, %multiple_of3A_324] : memref<64x1000000xf32, #tpu.memory_space<hbm>> -> memref<64x128xf32, #tpu.memory_space<hbm>>
      %dma_wait3A_741 = arith.constant 0 : i32
      %dma_wait3A_742 = arith.constant 0 : i32
      %dma_wait3A_743 = tpu.memref_slice %arg6[%dma_wait3A_734, %dma_wait3A_741, %dma_wait3A_742] : memref<8x64x128xf32, #tpu.memory_space<vmem>> -> memref<1x64x128xf32, #tpu.memory_space<vmem>>
      %dma_wait3A_744 = tpu.memref_squeeze %dma_wait3A_743 : memref<1x64x128xf32, #tpu.memory_space<vmem>> -> memref<64x128xf32, #tpu.memory_space<vmem>>
      %dma_wait3A_745 = arith.constant 0 : i32
      %dma_wait3A_746 = tpu.memref_slice %arg3[%dma_wait3A_745, %multiple_of3A_324] : memref<64x1000000xf32, #tpu.memory_space<hbm>> -> memref<64x128xf32, #tpu.memory_space<hbm>>
      tpu.wait_dma2 semaphore(%arg8 : memref<!tpu.dma_semaphore, #tpu.memory_space<semaphore_mem>>) src(%dma_wait3A_746 : memref<64x128xf32, #tpu.memory_space<hbm>>) dst(%dma_wait3A_744 : memref<64x128xf32, #tpu.memory_space<vmem>>)
      %broadcast_in_dim3A_747 = arith.constant 7 : i32
      %broadcast_in_dim3A_748 = vector.broadcast %broadcast_in_dim3A_747 : i32 to vector<16xi32>
      %broadcast_in_dim3A_749 = arith.constant 0 : i32
      %broadcast_in_dim3A_750 = vector.broadcast %broadcast_in_dim3A_749 : i32 to vector<16xi32>
      %slice3A_751 = vector.extract_strided_slice %get3A_13 {offsets = [7], sizes = [1], strides = [1]} : vector<16xi32> to vector<1xi32>
      %squeeze3A_752 = vector.extract %slice3A_751[0] : i32 from vector<1xi32>
      %jit3A_753 = arith.constant 128 : i32
      %eq3A_754 = arith.constant 0 : i32
      %eq3A_755 = arith.cmpi eq, %jit3A_753, %eq3A_754 : i32
      %jit3A_756 = arith.constant 1 : i32
      %select_n3A_757 = arith.select %eq3A_755, %jit3A_756, %jit3A_753 : i32
      %rem3A_758 = arith.remsi %squeeze3A_752, %select_n3A_757 : i32
      %ne3A_759 = arith.constant 0 : i32
      %ne3A_760 = arith.cmpi ne, %rem3A_758, %ne3A_759 : i32
      %lt3A_761 = arith.constant 0 : i32
      %lt3A_762 = arith.cmpi slt, %rem3A_758, %lt3A_761 : i32
      %lt3A_763 = arith.constant 0 : i32
      %lt3A_764 = arith.cmpi slt, %select_n3A_757, %lt3A_763 : i32
      %ne3A_765 = arith.xori %lt3A_762, %lt3A_764 : i1
      %and3A_766 = arith.andi %ne3A_765, %ne3A_760 : i1
      %add3A_767 = arith.addi %rem3A_758, %select_n3A_757 : i32
      %select_n3A_768 = arith.select %and3A_766, %add3A_767, %rem3A_758 : i32
      %add3A_769 = vector.broadcast %select_n3A_768 : i32 to vector<16xi32>
      %add3A_770 = arith.addi %broadcast_in_dim3A_750, %add3A_769 : vector<16xi32>
      %add3A_771 = arith.constant 0 : i32
      %add3A_772 = vector.broadcast %add3A_771 : i32 to vector<16xi32>
      %add3A_773 = arith.addi %iota3A, %add3A_772 : vector<16xi32>
      %gather3A_774 = tpu.vector_load_idx %arg6[%broadcast_in_dim3A_748, %add3A_773, %add3A_770] : memref<8x64x128xf32, #tpu.memory_space<vmem>>[vector<16xi32>, vector<16xi32>, vector<16xi32>], vector<16xf32>,
      %add3A_775 = arith.addf %add3A_718, %gather3A_774 : vector<16xf32>
      %add3A_776 = arith.constant 16 : i32
      %add3A_777 = vector.broadcast %add3A_776 : i32 to vector<16xi32>
      %add3A_778 = arith.addi %iota3A, %add3A_777 : vector<16xi32>
      %gather3A_779 = tpu.vector_load_idx %arg6[%broadcast_in_dim3A_748, %add3A_778, %add3A_770] : memref<8x64x128xf32, #tpu.memory_space<vmem>>[vector<16xi32>, vector<16xi32>, vector<16xi32>], vector<16xf32>,
      %add3A_780 = arith.addf %add3A_723, %gather3A_779 : vector<16xf32>
      %add3A_781 = arith.constant 32 : i32
      %add3A_782 = vector.broadcast %add3A_781 : i32 to vector<16xi32>
      %add3A_783 = arith.addi %iota3A, %add3A_782 : vector<16xi32>
      %gather3A_784 = tpu.vector_load_idx %arg6[%broadcast_in_dim3A_748, %add3A_783, %add3A_770] : memref<8x64x128xf32, #tpu.memory_space<vmem>>[vector<16xi32>, vector<16xi32>, vector<16xi32>], vector<16xf32>,
      %add3A_785 = arith.addf %add3A_728, %gather3A_784 : vector<16xf32>
      %add3A_786 = arith.constant 48 : i32
      %add3A_787 = vector.broadcast %add3A_786 : i32 to vector<16xi32>
      %add3A_788 = arith.addi %iota3A, %add3A_787 : vector<16xi32>
      %gather3A_789 = tpu.vector_load_idx %arg6[%broadcast_in_dim3A_748, %add3A_788, %add3A_770] : memref<8x64x128xf32, #tpu.memory_space<vmem>>[vector<16xi32>, vector<16xi32>, vector<16xi32>], vector<16xf32>,
      %add3A_790 = arith.addf %add3A_733, %gather3A_789 : vector<16xf32>
      %swap3A_791 = arith.constant 0 : index
      %swap3A_792 = tpu.vector_load %arg7[%swap3A_791] {strides = array<i32>} : memref<64xf32, #tpu.memory_space<vmem>>, vector<16xf32>,
      tpu.vector_store %arg7[%swap3A_791], %add3A_775 {strides = array<i32>} : memref<64xf32, #tpu.memory_space<vmem>>, vector<16xf32>,
      %swap3A_793 = arith.constant 16 : index
      %swap3A_794 = tpu.vector_load %arg7[%swap3A_793] {strides = array<i32>} : memref<64xf32, #tpu.memory_space<vmem>>, vector<16xf32>,
      tpu.vector_store %arg7[%swap3A_793], %add3A_780 {strides = array<i32>} : memref<64xf32, #tpu.memory_space<vmem>>, vector<16xf32>,
      %swap3A_795 = arith.constant 32 : index
      %swap3A_796 = tpu.vector_load %arg7[%swap3A_795] {strides = array<i32>} : memref<64xf32, #tpu.memory_space<vmem>>, vector<16xf32>,
      tpu.vector_store %arg7[%swap3A_795], %add3A_785 {strides = array<i32>} : memref<64xf32, #tpu.memory_space<vmem>>, vector<16xf32>,
      %swap3A_797 = arith.constant 48 : index
      %swap3A_798 = tpu.vector_load %arg7[%swap3A_797] {strides = array<i32>} : memref<64xf32, #tpu.memory_space<vmem>>, vector<16xf32>,
      tpu.vector_store %arg7[%swap3A_797], %add3A_790 {strides = array<i32>} : memref<64xf32, #tpu.memory_space<vmem>>, vector<16xf32>,
    } else {
    }
    "tpu.region"() ({
      %run_scoped3A = tpu.sem_alloc : memref<!tpu.dma_semaphore, #tpu.memory_space<semaphore_mem>>
      %dma_start3A = arith.constant 0 : i32
      %dma_start3A_11 = tpu.memref_slice %arg4[%add3A, %dma_start3A] : memref<32x64xf32, #tpu.memory_space<hbm>> -> memref<1x64xf32, #tpu.memory_space<hbm>>
      %dma_start3A_12 = tpu.memref_squeeze %dma_start3A_11 : memref<1x64xf32, #tpu.memory_space<hbm>> -> memref<64xf32, #tpu.memory_space<hbm>>
      %dma_start3A_13 = arith.constant 0 : i32
      %dma_start3A_14 = tpu.memref_slice %arg4[%add3A, %dma_start3A_13] : memref<32x64xf32, #tpu.memory_space<hbm>> -> memref<1x64xf32, #tpu.memory_space<hbm>>
      %dma_start3A_15 = tpu.memref_squeeze %dma_start3A_14 : memref<1x64xf32, #tpu.memory_space<hbm>> -> memref<64xf32, #tpu.memory_space<hbm>>
      tpu.enqueue_dma source(%arg7 : memref<64xf32, #tpu.memory_space<vmem>>) target(%dma_start3A_15 : memref<64xf32, #tpu.memory_space<hbm>>) target_semaphore(%run_scoped3A : memref<!tpu.dma_semaphore, #tpu.memory_space<semaphore_mem>>)
      %dma_wait3A = arith.constant 0 : i32
      %dma_wait3A_16 = tpu.memref_slice %arg4[%add3A, %dma_wait3A] : memref<32x64xf32, #tpu.memory_space<hbm>> -> memref<1x64xf32, #tpu.memory_space<hbm>>
      %dma_wait3A_17 = tpu.memref_squeeze %dma_wait3A_16 : memref<1x64xf32, #tpu.memory_space<hbm>> -> memref<64xf32, #tpu.memory_space<hbm>>
      %dma_wait3A_18 = arith.constant 0 : i32
      %dma_wait3A_19 = tpu.memref_slice %arg4[%add3A, %dma_wait3A_18] : memref<32x64xf32, #tpu.memory_space<hbm>> -> memref<1x64xf32, #tpu.memory_space<hbm>>
      %dma_wait3A_20 = tpu.memref_squeeze %dma_wait3A_19 : memref<1x64xf32, #tpu.memory_space<hbm>> -> memref<64xf32, #tpu.memory_space<hbm>>
      tpu.wait_dma2 semaphore(%run_scoped3A : memref<!tpu.dma_semaphore, #tpu.memory_space<semaphore_mem>>) src(%arg7 : memref<64xf32, #tpu.memory_space<vmem>>) dst(%dma_wait3A_20 : memref<64xf32, #tpu.memory_space<hbm>>)
      tpu.yield
    }) : () -> ()
    return
  }
}

module attributes {stable_mosaic.version = 14 : i64} {
  func.func @_tc_head_body(%arg0: memref<32x64xf32, #tpu.memory_space<vmem>>, %arg1: memref<64x128xf32, #tpu.memory_space<vmem>>, %arg2: memref<1x128xf32, #tpu.memory_space<vmem>>, %arg3: memref<1x128xf32, #tpu.memory_space<vmem>>) attributes {dimension_semantics = [], scalar_prefetch = 0 : i64, scratch_operands = 0 : i64, tpu.core_type = #tpu.core_type<tc>} {
    %get3A = arith.constant 0 : index
    %get3A_0 = arith.constant 0 : index
    %get3A_1 = vector.load %arg0[%get3A, %get3A_0] : memref<32x64xf32, #tpu.memory_space<vmem>>, vector<32x64xf32>
    %reduce_sum3A = arith.constant dense<0.000000e+00> : vector<64xf32>
    %reduce_sum3A_2 = vector.multi_reduction <add>, %get3A_1, %reduce_sum3A [0] : vector<32x64xf32> to vector<64xf32>
    %broadcast_in_dim3A = vector.shape_cast %reduce_sum3A_2 : vector<64xf32> to vector<1x64xf32>
    %mul3A = arith.constant 5.000000e-03 : f32
    %mul3A_3 = vector.broadcast %mul3A : f32 to vector<1x64xf32>
    %mul3A_4 = arith.mulf %broadcast_in_dim3A, %mul3A_3 : vector<1x64xf32>
    %get3A_5 = arith.constant 0 : index
    %get3A_6 = arith.constant 0 : index
    %get3A_7 = vector.load %arg1[%get3A_5, %get3A_6] : memref<64x128xf32, #tpu.memory_space<vmem>>, vector<64x128xf32>
    %dot_general3A = arith.constant dense<0.000000e+00> : vector<1x128xf32>
    %dot_general3A_8 = tpu.matmul %mul3A_4, %get3A_7, %dot_general3A {dimension_numbers = #tpu.dot_dimension_numbers<[1], [0], [0], [1], [0, 0, 1, 1], [], []>, transpose_lhs_hint = false} : vector<1x64xf32>, vector<64x128xf32>, vector<1x128xf32> -> vector<1x128xf32>
    %get3A_9 = arith.constant 0 : index
    %get3A_10 = arith.constant 0 : index
    %get3A_11 = vector.load %arg2[%get3A_9, %get3A_10] : memref<1x128xf32, #tpu.memory_space<vmem>>, vector<1x128xf32>
    %add3A = arith.addf %dot_general3A_8, %get3A_11 : vector<1x128xf32>
    %reduce_max3A = arith.constant dense<0xFF800000> : vector<1xf32>
    %reduce_max3A_12 = vector.multi_reduction <maximumf>, %add3A, %reduce_max3A [1] : vector<1x128xf32> to vector<1xf32>
    %broadcast_in_dim3A_13 = vector.shape_cast %reduce_max3A_12 : vector<1xf32> to vector<1x1xf32>
    %sub3A = vector.broadcast %broadcast_in_dim3A_13 : vector<1x1xf32> to vector<1x128xf32>
    %sub3A_14 = arith.subf %add3A, %sub3A : vector<1x128xf32>
    %exp3A = math.exp %sub3A_14 : vector<1x128xf32>
    %reduce_sum3A_15 = arith.constant dense<0.000000e+00> : vector<1xf32>
    %reduce_sum3A_16 = vector.multi_reduction <add>, %exp3A, %reduce_sum3A_15 [1] : vector<1x128xf32> to vector<1xf32>
    %broadcast_in_dim3A_17 = vector.shape_cast %reduce_sum3A_16 : vector<1xf32> to vector<1x1xf32>
    %log3A = math.log %broadcast_in_dim3A_17 : vector<1x1xf32>
    %sub3A_18 = vector.broadcast %log3A : vector<1x1xf32> to vector<1x128xf32>
    %sub3A_19 = arith.subf %sub3A_14, %sub3A_18 : vector<1x128xf32>
    %swap3A = arith.constant 0 : index
    %swap3A_20 = arith.constant 0 : index
    %swap3A_21 = vector.load %arg3[%swap3A, %swap3A_20] : memref<1x128xf32, #tpu.memory_space<vmem>>, vector<1x128xf32>
    tpu.vector_store %arg3[%swap3A, %swap3A_20], %sub3A_19 {strides = array<i32>} : memref<1x128xf32, #tpu.memory_space<vmem>>, vector<1x128xf32>,
    return
  }
}

</mosaic_0001>

<sc_bundles>
// kernel: kernel.4.cloned.1.call-start
scs
__scs_entry_jumppad:
0x0: {  	(pc) =	sbr.rel $0x88, $3  }
0x1: {  	(tag) =	ssettag $0x0;
	lr =	simm.s32 $0x1  }
0x2: {  	[smem:$0x3F9D] =	sst lr;
	_ =	strace $0xD0000000  }
0x3: {  	_ = 	snop  }
0x4: {  	_ = 	snop  }
0x5: {  	_ = 	snop  }
0x6: {  	_ = 	snop  }
0x7: {  	_ = 	snop  }
__scs_overlays_trampoline_lowered:
0x8: {  	[smem:$0x3FAC] =	sst s0  }
0x9: {  	[smem:$0x3FAD] =	sst s1  }
0xa: {  	[smem:$0x3FAE] =	sst s2  }
0xb: {  	[smem:$0x3FAF] =	sst s3  }
0xc: {  	[smem:$0x3FB0] =	sst s4  }
0xd: {  	[smem:$0x3FB1] =	sst s5  }
0xe: {  	[smem:$0x3FB2] =	sst s6  }
0xf: {  	[smem:$0x3FB3] =	sst s7  }
0x10: {  	[smem:$0x3FB4] =	sst s8  }
0x11: {  	[smem:$0x3FB5] =	sst s9;
	s0 =	simm.s32 @!p0 $0x0  }
0x12: {  	s1 =	sld [smem:$0x3F9B];
	s0 =	simm.s32 @p0 $0x1  }
0x13: {  	[smem:$0x3FB6] =	sst s0;
	s0 =	simm.s32 @!p1 $0x0  }
0x14: {  	s2 =	sld [smem:$0x3F9A];
	s0 =	simm.s32 @p1 $0x1  }
0x15: {  	[smem:$0x3FB7] =	sst s0;
	s0 =	simm.s32 @!p2 $0x0  }
0x16: {  	s3 =	sld [smem:$0x3FDB];
	s0 =	simm.s32 @p2 $0x1  }
0x17: {  	s4 =	simm.s32 $0x1BF5;
	[smem:$0x3FB9] =	sst s0  }
0x18: {  	s0 =	sld [smem:$0x3F9C];
	_ =	swait.ge [sflag:s4], $0x0  }
0x19: {  	s7 =	sld [smem:$0x3F9D]  }
0x1a: {  	s8 =	sadd.s32 $0xFFFFE003, lr  }
0x1b: {  	s9 =	sadd.s32 $0xFFFFFEF7, lr;
	s5 =	simm.s32 $0xFFFFFFFF;
	p2 =	slt.u32 s8, $0xFFFFF086  }
0x1c: {  	p1 =	slt.u32 s9, $0xF7A;
	s5 =	simm.s32 @!p2 $0x0  }
0x1d: {  	s5 =	simm.s32 @p1 $0x1;
	p0 =	seq.s32 s7, s2  }
0x1e: {  	s7 =	smul.u32 @!p0 $0xF7A, s2;
	p2 =	seq.s32 @!p0 s5, $0x0  }
0x1f: {  	s9 =	smul.u32 $0xF7A, s1;
	s8 =	simm.s32 @!p0 $0x1BF5;
	p2 =	por !p2, p0  }
0x20: {  	[sflag:s8] =	ssyncset.s32 @!p0 $0xFFFFF086;
	s6 =	sadd.s32 @!p0 s3, s7;
	s7 =	simm.s32 @!p0 $0x108  }
0x21: {  	s3 =	sadd.s32 s3, s9;
	s6 =	sadd.s32 @!p0 $0x88, s6;
	s7 =	simm.s32 @p2 $0x1082  }
0x22: {  	[simem:s7], [sflag:s8] =	dma.local @!p0 [hbm:s6], $0xF7A  }
0x23: {  	s9 =	sor.u32 $0xD0000000, s2;
	s6 =	simm.s32 $0x108;
	_ =	swait.ge @!p0 [sflag:s8], $0x0  }
0x24: {  	s3 =	sadd.s32 $0x88, s3;
	s6 =	simm.s32 @!p1 $0x1082;
	[sflag:s4] =	ssyncset.s32 $0xFFFFF086  }
0x25: {  	[simem:s6], [sflag:s4] =	dma.local [hbm:s3], $0xF7A  }
0x26: {  	[smem:$0x3F9D] =	sst s1;
	(tag) =	ssettag s2;
	_ =	strace s9  }
0x27: {  	s1 =	sld [smem:$0x3FAD]  }
0x28: {  	s2 =	sld [smem:$0x3FAE]  }
0x29: {  	s4 =	sld [smem:$0x3FB0]  }
0x2a: {  	p0 =	seq.s32 s5, $0x0;
	s5 =	sld [smem:$0x3FB1]  }
0x2b: {  	s6 =	sld [smem:$0x3FB2]  }
0x2c: {  	s7 =	sld [smem:$0x3FB3]  }
0x2d: {  	s3 =	simm.s32 $0x108;
	s8 =	sld [smem:$0x3FB4]  }
0x2e: {  	s3 =	simm.s32 @!p0 $0x1082;
	s9 =	sld [smem:$0x3FB5]  }
0x2f: {  	lr =	sadd.s32 s0, s3;
	s0 =	sld [smem:$0x3FAC]  }
0x30: {  	s3 =	sld [smem:$0x3FAF]  }
0x31: {  	[smem:$0x3FB8] =	sst s10  }
0x32: {  	s10 =	sld [smem:$0x3FB6];
	_ =	sdelay $0x3  }
0x33: {  	p0 =	seq.s32 s10, $0x1;
	s10 =	sld [smem:$0x3FB8];
	_ =	sdelay $0x3  }
0x34: {  	[smem:$0x3FB8] =	sst s10  }
0x35: {  	s10 =	sld [smem:$0x3FB7];
	_ =	sdelay $0x3  }
0x36: {  	p1 =	seq.s32 s10, $0x1;
	s10 =	sld [smem:$0x3FB8];
	_ =	sdelay $0x3  }
0x37: {  	[smem:$0x3FB8] =	sst s10  }
0x38: {  	s10 =	sld [smem:$0x3FB9]  }
0x39: {  	_ = 	snop;
	(pc) =	sbr.ind lr, $3  }
0x3a: {  	_ = 	snop  }
0x3b: {  	_ = 	snop  }
0x3c: {  	p2 =	seq.s32 s10, $0x1;
	s10 =	sld [smem:$0x3FB8]  }
0x3d: {  	_ =	shalt  }
0x3e: {  	_ =	shalt  }
0x3f: {  	_ =	shalt  }
0x40: {  	_ =	shalt  }
0x41: {  	_ =	shalt  }
0x42: {  	_ =	shalt  }
0x43: {  	_ =	shalt  }
0x44: {  	_ =	shalt  }
0x45: {  	_ =	shalt  }
0x46: {  	_ =	shalt  }
0x47: {  	_ =	shalt  }
0x48: {  	_ =	shalt  }
0x49: {  	_ =	shalt  }
0x4a: {  	_ =	shalt  }
0x4b: {  	_ =	shalt  }
0x4c: {  	_ =	shalt  }
0x4d: {  	_ =	shalt  }
0x4e: {  	_ =	shalt  }
0x4f: {  	_ =	shalt  }
0x50: {  	_ =	shalt  }
0x51: {  	_ =	shalt  }
0x52: {  	_ =	shalt  }
0x53: {  	_ =	shalt  }
0x54: {  	_ =	shalt  }
0x55: {  	_ =	shalt  }
0x56: {  	_ =	shalt  }
0x57: {  	_ =	shalt  }
0x58: {  	_ =	shalt  }
0x59: {  	_ =	shalt  }
0x5a: {  	_ =	shalt  }
0x5b: {  	_ =	shalt  }
0x5c: {  	_ =	shalt  }
0x5d: {  	_ =	shalt  }
0x5e: {  	_ =	shalt  }
0x5f: {  	_ =	shalt  }
0x60: {  	_ =	shalt  }
0x61: {  	_ =	shalt  }
0x62: {  	_ =	shalt  }
0x63: {  	_ =	shalt  }
0x64: {  	_ =	shalt  }
0x65: {  	_ =	shalt  }
0x66: {  	_ =	shalt  }
0x67: {  	_ =	shalt  }
0x68: {  	_ =	shalt  }
0x69: {  	_ =	shalt  }
0x6a: {  	_ =	shalt  }
0x6b: {  	_ =	shalt  }
0x6c: {  	_ =	shalt  }
0x6d: {  	_ =	shalt  }
0x6e: {  	_ =	shalt  }
0x6f: {  	_ =	shalt  }
0x70: {  	_ =	shalt  }
0x71: {  	_ =	shalt  }
0x72: {  	_ =	shalt  }
0x73: {  	_ =	shalt  }
0x74: {  	_ =	shalt  }
0x75: {  	_ =	shalt  }
0x76: {  	_ =	shalt  }
0x77: {  	_ =	shalt  }
0x78: {  	_ =	shalt  }
0x79: {  	_ =	shalt  }
0x7a: {  	_ =	shalt  }
0x7b: {  	_ =	shalt  }
0x7c: {  	_ =	shalt  }
0x7d: {  	_ =	shalt  }
0x7e: {  	_ =	shalt  }
0x7f: {  	_ =	shalt  }
0x80: {  	_ =	shalt  }
0x81: {  	_ =	shalt  }
0x82: {  	_ =	shalt  }
0x83: {  	_ =	shalt  }
0x84: {  	_ =	shalt  }
0x85: {  	_ =	shalt  }
0x86: {  	_ =	shalt  }
0x87: {  	_ =	shalt  }
.Lfunc_end0:
.L_simem_size_0:
called_computation_lowered:
.L_overlay_start_0:
0x88: {  	s2 =	sld [smem:$0x3FD9]  }
0x89: {  	s3 =	sld [smem:$0x3FFE];
	_ =	sdelay $0x1  }
0x8a: {  	s1 =	srdreg.scid  }
0x8b: {  	s0 =	sand.u32 $0x1, s1  }
0x8c: {  	s17 =	sshll.u32 s0, $0xA;
	s2 =	sadd.s32 s3, s2  }
0x8d: {  	s2 =	sadd.s32 s2, s17  }
0x8e: {  	[smem:$0x3FC4] =	sst s2  }
0x8f: {  	_ = 	snop  }
0x90: {  	s2 =	sld [smem:$0x3FC9]  }
0x91: {  	s18 =	sld [smem:$0x3FC8];
	(tm) =	ssettm $0x1  }
0x92: {  	s4 =	sld [smem:$0x3FFB];
	_ =	sdelay $0x3  }
0x93: {  	_ =	strace s4  }
0x94: {  	s4 =	sld [smem:$0x3FFC];
	_ =	sdelay $0x3  }
0x95: {  	_ =	strace s4  }
0x96: {  	s4 =	sld [smem:$0x3FFD];
	_ =	sdelay $0x3  }
0x97: {  	_ =	strace s4  }
0x98: {  	_ =	strace $0x8FFFFFFF  }
0x99: {  	s19 =	sld [smem:$0x3FDB];
	_ =	sdelay $0x1  }
0x9a: {  	s5 =	simm.s32 $_scs_section_size  }
0x9b: {  	s6 =	simm.s32 $_size__tile_overlayer_lowered;
	s7 =	simm.s32 $_tile_overlayer_lowered  }
0x9c: {  	s22 =	simm.s32 $0x1BFF;
	s21 =	sshll.u32 s7, $0x1;
	s4 =	sadd.s32 s5, s19  }
0x9d: {  	s8 =	simm.s32 $0x0;
	s20 =	sshll.u32 s6, $0x1;
	s6 =	sadd.s32 s21, s4  }
0x9e: {  	[timem:s8], [sflag:s22] =	dma.local [hbm:s6], s20  }
0x9f: {  	_ =	swait.ge [sflag:s22], s20  }
0xa0: {  	s5 =	ssub.s32 $0x0, s20;
	[sflag:s22] =	ssyncset.done $0x0  }
0xa1: {  	[sflag:s22] =	ssyncadd.s32 s5;
	_ =	sdelay $0x1  }
0xa2: {  	s23 =	simm.s32 $0x1B8B  }
0xa3: {  	_ =	swait.ge [sflag:s23], $0x1  }
0xa4: {  	[sflag:s23] =	ssyncset.done $0x0  }
0xa5: {  	s25 =	simm.s32 $0x1B8E;
	s24 =	sld [smem:$0x3FFE];
	[sflag:s23] =	ssyncadd.s32 $0xFFFFFFFF  }
0xa6: {  	s26 =	simm.s32 $execute0_lowered;
	[smem:$0x3FD2] =	sst s25  }
0xa7: {  	s6 =	sshll.u32 s26, $0x1;
	_ =	strace $0x80000046;
	[dreg:$0x1] =	wrdreg $0xFFFFFFFF  }
0xa8: {  	s28 =	simm.s32 $_size_execute0_lowered;
	s4 =	sadd.s32 s4, s6;
	[dreg:$0x0] =	wrdreg $0x0  }
0xa9: {  	s6 =	sshll.u32 s28, $0x1;
	[dreg:$0x2] =	wrdreg s4  }
0xaa: {  	[dreg:$0x3] =	wrdreg s6  }
0xab: {  	[dreg:$0x4] =	wrdreg $0xC0  }
0xac: {  	_ =	task [dreg:s8], $0x5FFFF  }
0xad: {  	[dreg:$0x1] =	wrdreg $0xFFFFFFFF  }
0xae: {  	[dreg:$0x0] =	wrdreg $0x60  }
0xaf: {  	[dreg:$0x2] =	wrdreg s2  }
0xb0: {  	[dreg:$0x3] =	wrdreg s18  }
0xb1: {  	[dreg:$0x4] =	wrdreg s24  }
0xb2: {  	[dreg:$0x5] =	wrdreg $0x9  }
0xb3: {  	_ =	task.clear_ibuf [dreg:s8], $0x6FFFF;
	_ =	strace $0x90000046  }
0xb4: {  	s29 =	simm.s32 $0x9;
	_ =	strace $0x80000048  }
0xb5: {  	_ =	swait.ge [sflag:s29], $0x1  }
0xb6: {  	[sflag:s29] =	ssyncadd.s32 $0xFFFFFFFF  }
0xb7: {  	_ =	strace $0x90000048  }
0xb8: {  	_ =	sfence  }
0xb9: {  	s30 =	sld [smem:$0x0];
	_ =	sdelay $0x2  }
0xba: {  	s31 =	sshll.u32 s1, $0xD;
	s1 =	sshrl.u32 s1, $0x2  }
0xbb: {  	s3 =	sand.u32 $0x4000, s31;
	s1 =	sadd.s32 s1, s30  }
0xbc: {  	s0 =	sor.u32 s3, s0;
	s1 =	sshll.u32 s1, $0x11  }
0xbd: {  	s0 =	sor.u32 s1, s0  }
0xbe: {  	s0 =	sadd.s32 $0x8F2B, s0  }
0xbf: {  	[sflag:s0] =	ssyncadd.remote.s32 $0x1  }
0xc0: {  	_ =	sfence.sel $0xFFFF  }
0xc1: {  	[dreg:$0x0] =	wrdreg $0xFFFFFFFF;
	(pc) =	sbr.abs _section_cstart, $3  }
0xc2: {  	[dreg:$0x1] =	wrdreg $0xFFFFFFFF  }
0xc3: {  	_ =	task.clear_ibuf [dreg:s8], $0x2FFFF;
	_ =	strace $0x9FFFFFFF  }
0xc4: {  	(tm) =	ssettm $0x7FFFFFFF  }
0xc5: {  	_ =	shalt  }
tec
execute0_lowered:
.L_overlay_start_1:
0x0: {  	(tag) =	ssettag $0x1  }
0x1: {  	v0 =	vlaneseq.u32  }
0x2: {  	s4 =	rddreg [dreg:$0x0];
	v0 =	vmul.u32 $0x80, v0  }
0x3: {  	s1 =	rddreg [dreg:$0x1];
	s2 =	srdreg.scid  }
0x4: {  	s0 =	stileid.u32;
	v1 =	vimm.f32 $0.0e+00;
	s5 =	rddreg [dreg:$0x2];
	v2 =	vor.u32 $0x800, v0  }
0x5: {  	s3 =	simm.s32 $0x0;
	s9 =	simm.s32 $0x400;
	s10 =	simm.s32 $0x7A1400;
	v3 =	vor.u32 $0x1000, v0;
	v4 =	vor.u32 $0x1800, v0;
	v5 =	vor.u32 $0x2000, v0  }
0x6: {  	s11 =	simm.s32 $0x80;
	s12 =	simm.s32 $0x2080;
	s13 =	simm.s32 $0x4080;
	v6 =	vor.u32 $0x2800, v0;
	v7 =	vor.u32 $0x3000, v0;
	v8 =	vor.u32 $0x3800, v0  }
0x7: {  	s14 =	simm.s32 $0x6080;
	s15 =	simm.s32 $0x8080;
	s16 =	simm.s32 $0xA080;
	v9 =	vor.u32 $0x4000, v0;
	v10 =	vor.u32 $0x4800, v0;
	v11 =	vor.u32 $0x5000, v0  }
0x8: {  	s17 =	simm.s32 $0xC080;
	s18 =	simm.s32 $0xE080;
	s19 =	simm.s32 $0x10080;
	v12 =	vor.u32 $0x5800, v0;
	v13 =	vor.u32 $0x6000, v0;
	v14 =	vor.u32 $0x6800, v0  }
0x9: {  	s6 =	sand.u32 $0x1, s2;
	s7 =	sshll.u32 s0, $0x1;
	s2 =	rddreg [dreg:$0x3];
	v15 =	vor.u32 $0x7000, v0;
	v16 =	vor.u32 $0x7800, v0;
	v17 =	vor.u32 $0x8000, v0  }
.Ltmp0:
0xa: {  	[smem:$0x7FF] =	sst s3;
	s7 =	sor.u32 s6, s7;
	v18 =	vor.u32 $0x8800, v0;
	v19 =	vor.u32 $0x9000, v0;
	v20 =	vor.u32 $0x9800, v0;
	(pc) =	sbr.rel .LBB2_1-.Ltmp0, $4  }
0xb: {  	s6 =	ssub.s32 $0x2, s6;
	_ =	strace $0x80000047;
	s8 =	sshll.u32 s7, $0x4;
	v21 =	vor.u32 $0xA000, v0;
	v22 =	vor.u32 $0xA800, v0;
	v23 =	vor.u32 $0xB000, v0  }
0xc: {  	s31 =	sshrl.u32 s6, $0x1;
	s4 =	sadd.s32 s4, s7;
	p0 =	sgt.u32 s7, $0x18;
	v24 =	vor.u32 $0xB800, v0;
	v25 =	vor.u32 $0xC000, v0;
	v26 =	vor.u32 $0xC800, v0  }
0xd: {  	s7 =	simm.s32 $0x2;
	v27 =	vor.u32 $0xD000, v0;
	v28 =	vor.u32 $0xD800, v0;
	v29 =	vor.u32 $0xE000, v0;
	s5 =	sadd.s32 s8, s5;
	s6 =	ssub.s32 s6, s31  }
0xe: {  	v30 =	vor.u32 $0xE800, v0;
	v31 =	vor.u32 $0xF000, v0;
	v32 =	vor.u32 $0xF800, v0;
	s8 =	simm.s32 $0x1;
	s5 =	sadd.s32 $0xA00, s5;
	s6 =	smax.u32 s6, $0x1  }
.LBB2_3:
0xf: {  	s6 =	sadd.s32 $0xFFFFFFFF, s6  }
0x10: {  	p1 =	sne.s32 s6, $0x0  }
.Ltmp1:
0x11: {  	_ = 	snop;
	(pc) =	sbr.rel @!p1 .LBB2_4-.Ltmp1, $4  }
0x12: {  	[hbm4b:s5+s3] =	stream.linear.scatter [tilespmem:s19], [sflag:$0x2], $0x80, $0x38;
	[tilespmem:$0x10100] =	vst v63  }
0x13: {  	_ =	swait.ge [sflag:s7], $0x80  }
0x14: {  	[sflag:s7] =	ssyncset.done $0x0  }
0x15: {  	[sflag:s7] =	ssyncadd.s32 $0xFFFFFF80  }
.LBB2_1:
.Ltmp2:
0x16: {  	(pc) =	sbr.rel @p0 .LBB2_3-.Ltmp2, $4  }
0x17: {  	[tilespmem:$0x10080] =	vst v1  }
0x18: {  	[tilespmem:$0x10090] =	vst v1  }
0x19: {  	[tilespmem:$0x100A0] =	vst v1  }
0x1a: {  	[tilespmem:$0x100B0] =	vst v1  }
0x1b: {  	[tilespmem:s3], [sflag:$0x2] =	stream.linear.gather [hbm4b:s4+s3], $0x8, $0x38;
	[tilespmem:$0x10100] =	vst v63  }
0x1c: {  	_ =	swait.ge [sflag:s7], $0x8  }
0x1d: {  	[sflag:s7] =	ssyncset.done $0x0  }
0x1e: {  	[sflag:s7] =	ssyncadd.s32 $0xFFFFFFF8  }
0x1f: {  	v33 =	vld [tilespmem:$0x0];
	_ =	sdelay $0x4  }
0x20: {  	(v2sf) =	vpush v33, $0x0;
	_ =	sdelay $0xd  }
0x21: {  	(v2sf) =	vpush v33, $0x1  }
0x22: {  	s20 =	spop (v2sf)  }
0x23: {  	s21 =	sshra.s32 s20, $0x1F  }
0x24: {  	s21 =	sshrl.u32 s21, $0x19  }
0x25: {  	s21 =	sadd.s32 s21, s20  }
0x26: {  	s22 =	sand.u32 $0xFFFFFF80, s21  }
0x27: {  	p1 =	slt.s32 s20, $0x1;
	p2 =	sne.s32 s20, s22  }
0x28: {  	p1 =	por !p1, !p2  }
0x29: {  	s22 =	simm.s32 $0x1;
	p1 =	por !p1, !p1  }
0x2a: {  	s21 =	sshrl.u32 s21, $0x7;
	s22 =	simm.s32 @!p1 $0x0  }
0x2b: {  	s21 =	ssub.s32 s21, s22  }
0x2c: {  	s21 =	sshll.u32 s21, $0x7  }
0x2d: {  	s21 =	sand.u32 $0x1FFFFF80, s21  }
0x2e: {  	s21 =	sadd.s32 s1, s21  }
0x2f: {  	(v2sf) =	vpush v33, $0x2;
	[tilespmem:s11], [sflag:$0x1] =	stream.strided.gather [hbm4b:s21+s9], $0x2000, s10, s9, $0x38;
	[tilespmem:$0x10100] =	vst v63  }
0x30: {  	s21 =	spop (v2sf)  }
0x31: {  	s26 =	sshra.s32 s21, $0x1F  }
0x32: {  	s22 =	sshrl.u32 s26, $0x19  }
0x33: {  	s22 =	sadd.s32 s22, s21  }
0x34: {  	s23 =	sand.u32 $0xFFFFFF80, s22  }
0x35: {  	p5 =	slt.s32 s21, $0x1;
	p6 =	sne.s32 s21, s23  }
0x36: {  	p1 =	por !p5, !p6  }
0x37: {  	s23 =	simm.s32 $0x1;
	p1 =	por !p1, !p1  }
0x38: {  	s22 =	sshrl.u32 s22, $0x7;
	s23 =	simm.s32 @!p1 $0x0  }
0x39: {  	s22 =	ssub.s32 s22, s23  }
0x3a: {  	s22 =	sshll.u32 s22, $0x7  }
0x3b: {  	s22 =	sand.u32 $0x1FFFFF80, s22  }
0x3c: {  	s22 =	sadd.s32 s1, s22  }
0x3d: {  	(v2sf) =	vpush v33, $0x3;
	[tilespmem:s12], [sflag:$0x1] =	stream.strided.gather [hbm4b:s22+s9], $0x2000, s10, s9, $0x38;
	[tilespmem:$0x10100] =	vst v63  }
0x3e: {  	s22 =	spop (v2sf)  }
0x3f: {  	s28 =	sshra.s32 s22, $0x1F  }
0x40: {  	s23 =	sshrl.u32 s28, $0x19  }
0x41: {  	s23 =	sadd.s32 s23, s22  }
0x42: {  	s24 =	sand.u32 $0xFFFFFF80, s23  }
0x43: {  	p3 =	slt.s32 s22, $0x1;
	p4 =	sne.s32 s22, s24  }
0x44: {  	p1 =	por !p3, !p4  }
0x45: {  	s24 =	simm.s32 $0x1;
	p1 =	por !p1, !p1  }
0x46: {  	s23 =	sshrl.u32 s23, $0x7;
	s24 =	simm.s32 @!p1 $0x0  }
0x47: {  	s23 =	ssub.s32 s23, s24  }
0x48: {  	s23 =	sshll.u32 s23, $0x7  }
0x49: {  	s23 =	sand.u32 $0x1FFFFF80, s23  }
0x4a: {  	s23 =	sadd.s32 s1, s23  }
0x4b: {  	(v2sf) =	vpush v33, $0x4;
	[tilespmem:s13], [sflag:$0x1] =	stream.strided.gather [hbm4b:s23+s9], $0x2000, s10, s9, $0x38;
	[tilespmem:$0x10100] =	vst v63  }
0x4c: {  	s23 =	spop (v2sf)  }
0x4d: {  	s29 =	sshra.s32 s23, $0x1F  }
0x4e: {  	s24 =	sshrl.u32 s29, $0x19  }
0x4f: {  	s24 =	sadd.s32 s24, s23  }
0x50: {  	s25 =	sand.u32 $0xFFFFFF80, s24  }
0x51: {  	p5 =	slt.s32 s23, $0x1;
	p6 =	sne.s32 s23, s25  }
0x52: {  	p1 =	por !p5, !p6  }
0x53: {  	s25 =	simm.s32 $0x1;
	p1 =	por !p1, !p1  }
0x54: {  	s24 =	sshrl.u32 s24, $0x7;
	s25 =	simm.s32 @!p1 $0x0  }
0x55: {  	s24 =	ssub.s32 s24, s25  }
0x56: {  	(v2sf) =	vpush v33, $0x5;
	s24 =	sshll.u32 s24, $0x7  }
0x57: {  	s24 =	sand.u32 $0x1FFFFF80, s24  }
0x58: {  	s24 =	sadd.s32 s1, s24  }
0x59: {  	[tilespmem:s14], [sflag:$0x1] =	stream.strided.gather [hbm4b:s24+s9], $0x2000, s10, s9, $0x38;
	[tilespmem:$0x10100] =	vst v63  }
0x5a: {  	s24 =	spop (v2sf)  }
0x5b: {  	s30 =	sshra.s32 s24, $0x1F  }
0x5c: {  	s25 =	sshrl.u32 s30, $0x19  }
0x5d: {  	s25 =	sadd.s32 s25, s24  }
0x5e: {  	s26 =	sand.u32 $0xFFFFFF80, s25  }
0x5f: {  	p3 =	slt.s32 s24, $0x1;
	p4 =	sne.s32 s24, s26  }
0x60: {  	p1 =	por !p3, !p4  }
0x61: {  	s26 =	simm.s32 $0x1;
	p1 =	por !p1, !p1  }
0x62: {  	s25 =	sshrl.u32 s25, $0x7;
	s26 =	simm.s32 @!p1 $0x0  }
0x63: {  	(v2sf) =	vpush v33, $0x6;
	s25 =	ssub.s32 s25, s26  }
0x64: {  	s25 =	sshll.u32 s25, $0x7  }
0x65: {  	s31 =	sand.u32 $0x1FFFFF80, s25;
	s25 =	spop (v2sf)  }
0x66: {  	s26 =	sadd.s32 s1, s31;
	s28 =	sshra.s32 s25, $0x1F  }
0x67: {  	[tilespmem:s15], [sflag:$0x1] =	stream.strided.gather [hbm4b:s26+s9], $0x2000, s10, s9, $0x38;
	[tilespmem:$0x10100] =	vst v63  }
0x68: {  	s26 =	sshrl.u32 s28, $0x19  }
0x69: {  	s26 =	sadd.s32 s26, s25  }
0x6a: {  	s28 =	sand.u32 $0xFFFFFF80, s26  }
0x6b: {  	p5 =	slt.s32 s25, $0x1;
	p6 =	sne.s32 s25, s28  }
0x6c: {  	p1 =	por !p5, !p6  }
0x6d: {  	s28 =	simm.s32 $0x1;
	p1 =	por !p1, !p1  }
0x6e: {  	s26 =	sshrl.u32 s26, $0x7;
	s28 =	simm.s32 @!p1 $0x0  }
0x6f: {  	s26 =	ssub.s32 s26, s28  }
0x70: {  	s26 =	sshll.u32 s26, $0x7  }
0x71: {  	s26 =	sand.u32 $0x1FFFFF80, s26  }
0x72: {  	s29 =	sadd.s32 s1, s26;
	s26 =	spop (v2sf);
	(v2sf) =	vpush v33, $0x7  }
0x73: {  	[tilespmem:s16], [sflag:$0x1] =	stream.strided.gather [hbm4b:s29+s9], $0x2000, s10, s9, $0x38;
	[tilespmem:$0x10100] =	vst v63  }
0x74: {  	s30 =	sshra.s32 s26, $0x1F  }
0x75: {  	s28 =	sshrl.u32 s30, $0x19  }
0x76: {  	s28 =	sadd.s32 s28, s26  }
0x77: {  	s29 =	sand.u32 $0xFFFFFF80, s28  }
0x78: {  	p3 =	slt.s32 s26, $0x1;
	p4 =	sne.s32 s26, s29  }
0x79: {  	p1 =	por !p3, !p4  }
0x7a: {  	s29 =	simm.s32 $0x1;
	p1 =	por !p1, !p1  }
0x7b: {  	s28 =	sshrl.u32 s28, $0x7;
	s29 =	simm.s32 @!p1 $0x0  }
0x7c: {  	s28 =	ssub.s32 s28, s29  }
0x7d: {  	s28 =	sshll.u32 s28, $0x7  }
0x7e: {  	s28 =	sand.u32 $0x1FFFFF80, s28  }
0x7f: {  	s28 =	sadd.s32 s1, s28  }
0x80: {  	[tilespmem:s17], [sflag:$0x1] =	stream.strided.gather [hbm4b:s28+s9], $0x2000, s10, s9, $0x38;
	[tilespmem:$0x10100] =	vst v63  }
0x81: {  	s28 =	spop (v2sf)  }
0x82: {  	s31 =	sshra.s32 s28, $0x1F  }
0x83: {  	s29 =	sshrl.u32 s31, $0x19  }
0x84: {  	s29 =	sadd.s32 s29, s28  }
0x85: {  	s30 =	sand.u32 $0xFFFFFF80, s29  }
0x86: {  	p5 =	slt.s32 s28, $0x1;
	p6 =	sne.s32 s28, s30  }
0x87: {  	p1 =	por !p5, !p6  }
0x88: {  	s30 =	simm.s32 $0x1;
	p1 =	por !p1, !p1  }
0x89: {  	s29 =	sshrl.u32 s29, $0x7;
	s30 =	simm.s32 @!p1 $0x0  }
0x8a: {  	s29 =	ssub.s32 s29, s30  }
0x8b: {  	s29 =	sshll.u32 s29, $0x7  }
0x8c: {  	s20 =	sand.u32 $0x7F, s20;
	s29 =	sand.u32 $0x1FFFFF80, s29  }
0x8d: {  	v61 =	vor.u32 s20, v0;
	s29 =	sadd.s32 s1, s29  }
0x8e: {  	v34 =	vor.u32 s20, v2;
	[tilespmem:s18], [sflag:$0x1] =	stream.strided.gather [hbm4b:s29+s9], $0x2000, s10, s9, $0x38;
	[tilespmem:$0x10100] =	vst v63  }
0x8f: {  	v35 =	vor.u32 s20, v3;
	_ =	swait.ge [sflag:s8], $0x2000  }
0x90: {  	v36 =	vor.u32 s20, v4;
	[sflag:s8] =	ssyncset.done $0x0  }
0x91: {  	[sflag:s8] =	ssyncadd.s32 $0xFFFFE000  }
0x92: {  	s21 =	sand.u32 $0x7F, s21;
	v33 =	vld.idx.msk [tilespmem:v61+s11+$0x0], $0xffff  }
0x93: {  	v37 =	vor.u32 s21, v5;
	v34 =	vld.idx.msk [tilespmem:v34+s11+$0x0], $0xffff  }
0x94: {  	v38 =	vor.u32 s21, v6;
	v35 =	vld.idx.msk [tilespmem:v35+s11+$0x0], $0xffff  }
0x95: {  	v39 =	vor.u32 s21, v7;
	v36 =	vld.idx.msk [tilespmem:v36+s11+$0x0], $0xffff;
	_ =	swait.ge [sflag:s8], $0x2000  }
0x96: {  	v40 =	vor.u32 s21, v8;
	[sflag:s8] =	ssyncset.done $0x0  }
0x97: {  	[sflag:s8] =	ssyncadd.s32 $0xFFFFE000  }
0x98: {  	s22 =	sand.u32 $0x7F, s22;
	v37 =	vld.idx.msk [tilespmem:v37+s11+$0x0], $0xffff  }
0x99: {  	v41 =	vor.u32 s22, v9;
	v38 =	vld.idx.msk [tilespmem:v38+s11+$0x0], $0xffff  }
0x9a: {  	v42 =	vor.u32 s22, v10;
	v39 =	vld.idx.msk [tilespmem:v39+s11+$0x0], $0xffff  }
0x9b: {  	v43 =	vor.u32 s22, v11;
	v40 =	vld.idx.msk [tilespmem:v40+s11+$0x0], $0xffff;
	_ =	swait.ge [sflag:s8], $0x2000  }
0x9c: {  	v44 =	vor.u32 s22, v12;
	[sflag:s8] =	ssyncset.done $0x0  }
0x9d: {  	[sflag:s8] =	ssyncadd.s32 $0xFFFFE000  }
0x9e: {  	s23 =	sand.u32 $0x7F, s23;
	v41 =	vld.idx.msk [tilespmem:v41+s11+$0x0], $0xffff  }
0x9f: {  	v45 =	vor.u32 s23, v13;
	v42 =	vld.idx.msk [tilespmem:v42+s11+$0x0], $0xffff  }
0xa0: {  	v46 =	vor.u32 s23, v14;
	v43 =	vld.idx.msk [tilespmem:v43+s11+$0x0], $0xffff  }
0xa1: {  	v47 =	vor.u32 s23, v15;
	v44 =	vld.idx.msk [tilespmem:v44+s11+$0x0], $0xffff;
	_ =	swait.ge [sflag:s8], $0x2000  }
0xa2: {  	v48 =	vor.u32 s23, v16;
	[sflag:s8] =	ssyncset.done $0x0  }
0xa3: {  	[sflag:s8] =	ssyncadd.s32 $0xFFFFE000  }
0xa4: {  	s24 =	sand.u32 $0x7F, s24;
	v45 =	vld.idx.msk [tilespmem:v45+s11+$0x0], $0xffff  }
0xa5: {  	v49 =	vor.u32 s24, v17;
	v46 =	vld.idx.msk [tilespmem:v46+s11+$0x0], $0xffff  }
0xa6: {  	v50 =	vor.u32 s24, v18;
	v47 =	vld.idx.msk [tilespmem:v47+s11+$0x0], $0xffff  }
0xa7: {  	v51 =	vor.u32 s24, v19;
	v48 =	vld.idx.msk [tilespmem:v48+s11+$0x0], $0xffff;
	_ =	swait.ge [sflag:s8], $0x2000  }
0xa8: {  	v52 =	vor.u32 s24, v20;
	[sflag:s8] =	ssyncset.done $0x0  }
0xa9: {  	[sflag:s8] =	ssyncadd.s32 $0xFFFFE000  }
0xaa: {  	s29 =	sand.u32 $0x7F, s25;
	v49 =	vld.idx.msk [tilespmem:v49+s11+$0x0], $0xffff  }
0xab: {  	v53 =	vor.u32 s29, v21;
	v50 =	vld.idx.msk [tilespmem:v50+s11+$0x0], $0xffff  }
0xac: {  	v54 =	vor.u32 s29, v22;
	v51 =	vld.idx.msk [tilespmem:v51+s11+$0x0], $0xffff  }
0xad: {  	v55 =	vor.u32 s29, v23;
	v52 =	vld.idx.msk [tilespmem:v52+s11+$0x0], $0xffff;
	_ =	swait.ge [sflag:s8], $0x2000  }
0xae: {  	v56 =	vor.u32 s29, v24;
	[sflag:s8] =	ssyncset.done $0x0  }
0xaf: {  	[sflag:s8] =	ssyncadd.s32 $0xFFFFE000  }
0xb0: {  	s30 =	sand.u32 $0x7F, s26;
	v53 =	vld.idx.msk [tilespmem:v53+s11+$0x0], $0xffff  }
0xb1: {  	v57 =	vor.u32 s30, v25;
	v54 =	vld.idx.msk [tilespmem:v54+s11+$0x0], $0xffff  }
0xb2: {  	v58 =	vor.u32 s30, v26;
	v55 =	vld.idx.msk [tilespmem:v55+s11+$0x0], $0xffff  }
0xb3: {  	v59 =	vor.u32 s30, v27;
	v33 =	vadd.f32 $0.0e+00, v33;
	v56 =	vld.idx.msk [tilespmem:v56+s11+$0x0], $0xffff;
	_ =	swait.ge [sflag:s8], $0x2000  }
0xb4: {  	v60 =	vor.u32 s30, v28;
	v34 =	vadd.f32 $0.0e+00, v34;
	[sflag:s8] =	ssyncset.done $0x0  }
0xb5: {  	v35 =	vadd.f32 $0.0e+00, v35;
	v33 =	vadd.f32 v37, v33;
	[sflag:s8] =	ssyncadd.s32 $0xFFFFE000  }
0xb6: {  	s31 =	sand.u32 $0x7F, s28;
	v36 =	vadd.f32 $0.0e+00, v36;
	v34 =	vadd.f32 v38, v34;
	v62 =	vld.idx.msk [tilespmem:v57+s11+$0x0], $0xffff  }
0xb7: {  	v35 =	vadd.f32 v39, v35;
	v33 =	vadd.f32 v41, v33;
	v38 =	vld.idx.msk [tilespmem:v58+s11+$0x0], $0xffff;
	v57 =	vor.u32 s31, v29  }
0xb8: {  	v36 =	vadd.f32 v40, v36;
	v34 =	vadd.f32 v42, v34;
	v63 =	vld.idx.msk [tilespmem:v59+s11+$0x0], $0xffff;
	v59 =	vor.u32 s31, v30  }
0xb9: {  	v35 =	vadd.f32 v43, v35;
	v33 =	vadd.f32 v45, v33;
	v58 =	vld.idx.msk [tilespmem:v60+s11+$0x0], $0xffff;
	_ =	swait.ge [sflag:s8], $0x2000;
	v60 =	vor.u32 s31, v31  }
0xba: {  	v61 =	vor.u32 s31, v32;
	v36 =	vadd.f32 v44, v36;
	v34 =	vadd.f32 v46, v34;
	[sflag:s8] =	ssyncset.done $0x0  }
0xbb: {  	v35 =	vadd.f32 v47, v35;
	v33 =	vadd.f32 v49, v33;
	[sflag:s8] =	ssyncadd.s32 $0xFFFFE000  }
0xbc: {  	v36 =	vadd.f32 v48, v36;
	v34 =	vadd.f32 v50, v34;
	v41 =	vld.idx.msk [tilespmem:v57+s11+$0x0], $0xffff  }
0xbd: {  	v35 =	vadd.f32 v51, v35;
	v33 =	vadd.f32 v53, v33;
	v42 =	vld.idx.msk [tilespmem:v59+s11+$0x0], $0xffff  }
0xbe: {  	v36 =	vadd.f32 v52, v36;
	v34 =	vadd.f32 v54, v34;
	v43 =	vld.idx.msk [tilespmem:v60+s11+$0x0], $0xffff  }
0xbf: {  	v35 =	vadd.f32 v55, v35;
	v33 =	vadd.f32 v62, v33;
	v62 =	vld.idx.msk [tilespmem:v61+s11+$0x0], $0xffff  }
0xc0: {  	v36 =	vadd.f32 v56, v36;
	v34 =	vadd.f32 v38, v34  }
0xc1: {  	v35 =	vadd.f32 v63, v35;
	v33 =	vadd.f32 v41, v33  }
.Ltmp3:
0xc2: {  	v36 =	vadd.f32 v58, v36;
	v34 =	vadd.f32 v42, v34;
	(pc) =	sbr.rel .LBB2_3-.Ltmp3, $4  }
0xc3: {  	v35 =	vadd.f32 v43, v35;
	[tilespmem:$0x10080] =	vst v33  }
0xc4: {  	v63 =	vadd.f32 v62, v36;
	[tilespmem:$0x10090] =	vst v34  }
0xc5: {  	[tilespmem:$0x100A0] =	vst v35  }
0xc6: {  	[tilespmem:$0x100B0] =	vst v63  }
.LBB2_4:
0xc7: {  	_ =	sfence.sel $0x180000  }
0xc8: {  	[bflag:$0x0] =	sbarrier.arrive $0xFFFF  }
0xc9: {  	p0 =	sne.s32 s0, $0x0;
	_ =	strace $0x90000047  }
0xca: {  	s0 =	sadd.s32 @!p0 $0x100000, s2;
	[bflag:$0x2] =	sbarrier.arrive $0xFFFF  }
0xcb: {  	[sflag:s0] =	ssyncadd.tile.s32 @!p0 $0x1;
	_ =	shalt  }
.Lfunc_end2:
_tile_overlayer_lowered:
.L_overlay_start_2:
0xcc: {  	(tag) =	ssettag $0x2  }
0xcd: {  	s0 =	rddreg [dreg:$0x0];
	s2 =	stileid.u32  }
0xce: {  	s1 =	rddreg [dreg:$0x1];
	p0 =	sne.s32 s2, $0x0  }
0xcf: {  	s3 =	rddreg [dreg:$0x2];
	[bflag:$0x3] =	sbarrier.arrive $0xFFFF;
	s2 =	simm.s32 @!p0 $0x1C02  }
0xd0: {  	[timem:s3], [sflag:s2] =	dma.local @!p0 [hbm:s0], s1  }
0xd1: {  	s0 =	simm.s32 @!p0 $0x2  }
0xd2: {  	_ =	swait.ge @!p0 [sflag:s0], s1  }
0xd3: {  	s1 =	ssub.s32 @!p0 $0x0, s1;
	[sflag:s0] =	ssyncset.done @!p0 $0x0  }
0xd4: {  	[sflag:s0] =	ssyncadd.s32 @!p0 s1  }
0xd5: {  	[bflag:$0x3] =	sbarrier.arrive $0xFFFF  }
0xd6: {  	_ =	shalt  }

</sc_bundles>
